<compile_context>
chip_gen: v7x
topology: tpu7x:2x2x1
jax: 0.10.2.dev20260603
libtpu: 0.0.44.dev20260713+nightly
codegen_flags: <defaults>
</compile_context>

<pallas_src>
import functools

import jax
import jax.numpy as jnp
from jax import lax
from jax.experimental import pallas as pl
from jax.experimental.pallas import tpu as pltpu
from jax.experimental.pallas import tpu_sc as plsc

_N_BINS = 15
_BLOCK_ROWS = 2048


def _stats_kernel(x_ref, w_ref, b_ref, conf_ref):
    x = x_ref[...]
    logits = jnp.dot(x, w_ref[...], preferred_element_type=jnp.float32) + b_ref[...]
    m = jnp.max(logits, axis=1, keepdims=True)
    e = jnp.exp(logits - m)
    s = jnp.sum(e, axis=1, keepdims=True)
    conf_ref[...] = 1.0 / s


def _scale_kernel(x_ref, w_ref, b_ref, est_ref, out_ref):
    x = x_ref[...]
    logits = jnp.dot(x, w_ref[...], preferred_element_type=jnp.float32) + b_ref[...]
    m = jnp.max(logits, axis=1, keepdims=True)
    e = jnp.exp(logits - m)
    s = jnp.sum(e, axis=1, keepdims=True)
    est = est_ref[...]
    t = (1.0 - est) / (s - 1.0)
    out_ref[...] = jnp.where(logits == m, est, e * t)


def _sc_bin_lookup(conf, hist16):
    batch = conf.shape[0]
    n_workers = 32
    bpw = batch // n_workers
    mesh = plsc.VectorSubcoreMesh(core_axis_name="c", subcore_axis_name="s")

    @functools.partial(
        pl.kernel,
        mesh=mesh,
        out_type=jax.ShapeDtypeStruct((batch,), jnp.float32),
        scratch_types=[
            pltpu.VMEM((bpw,), jnp.float32),
            pltpu.VMEM((16,), jnp.float32),
            pltpu.VMEM((bpw,), jnp.float32),
        ],
        compiler_params=pltpu.CompilerParams(needs_layout_passes=False),
    )
    def k(conf_hbm, hist_hbm, est_hbm, conf_v, hist_v, est_v):
        wid = lax.axis_index("s") * 2 + lax.axis_index("c")
        base = wid * bpw
        pltpu.sync_copy(conf_hbm.at[pl.ds(base, bpw)], conf_v)
        pltpu.sync_copy(hist_hbm, hist_v)
        for i in range(bpw // 16):
            c = conf_v[pl.ds(i * 16, 16)]
            y = c * float(_N_BINS)
            ti = y.astype(jnp.int32)
            idx = ti - jnp.where(ti.astype(jnp.float32) == y, 1, 0)
            idx = jnp.minimum(jnp.maximum(idx, 0), _N_BINS - 1)
            hv = plsc.load_gather(hist_v, [idx])
            est_v[pl.ds(i * 16, 16)] = jnp.where(hv == -1.0, c, hv)
        pltpu.sync_copy(est_v, est_hbm.at[pl.ds(base, bpw)])

    return k(conf, hist16)


def kernel(x, W, b, histogram):
    batch, d_in = x.shape
    n_classes = W.shape[1]
    b2 = b.reshape(1, n_classes)
    hist16 = jnp.zeros((16,), jnp.float32).at[:_N_BINS].set(histogram)
    grid = (batch // _BLOCK_ROWS,)
    conf2d = pl.pallas_call(
        _stats_kernel,
        grid=grid,
        in_specs=[
            pl.BlockSpec((_BLOCK_ROWS, d_in), lambda i: (i, 0)),
            pl.BlockSpec((d_in, n_classes), lambda i: (0, 0)),
            pl.BlockSpec((1, n_classes), lambda i: (0, 0)),
        ],
        out_specs=pl.BlockSpec((_BLOCK_ROWS, 1), lambda i: (i, 0)),
        out_shape=jax.ShapeDtypeStruct((batch, 1), jnp.float32),
    )(x, W, b2)
    est = _sc_bin_lookup(conf2d.reshape(batch), hist16)
    return pl.pallas_call(
        _scale_kernel,
        grid=grid,
        in_specs=[
            pl.BlockSpec((_BLOCK_ROWS, d_in), lambda i: (i, 0)),
            pl.BlockSpec((d_in, n_classes), lambda i: (0, 0)),
            pl.BlockSpec((1, n_classes), lambda i: (0, 0)),
            pl.BlockSpec((_BLOCK_ROWS, 1), lambda i: (i, 0)),
        ],
        out_specs=pl.BlockSpec((_BLOCK_ROWS, n_classes), lambda i: (i, 0)),
        out_shape=jax.ShapeDtypeStruct((batch, n_classes), jnp.float32),
    )(x, W, b2, est.reshape(batch, 1))

# --- scband reference (transcript-rebuilt; emitter-appended) ---
"""Pipeline reference for scband-histogram-binning-posterior-estimator-79431125172851 (READ-ONLY COPY).

The authoritative reference and input builder live on the scoring server;
editing this copy changes nothing except your own understanding.
"""

import jax, jax.numpy as jnp
import numpy as np

N_BINS = 15
BATCH = 16384
D_IN = 64
N_CLASSES = 1000


def setup_inputs(seed: int = 0) -> dict:
    key = jax.random.key(seed)
    k1, k2, k3, k4 = jax.random.split(key, 4)
    x = jax.random.normal(k1, (BATCH, D_IN), dtype=jnp.float32)
    W = jax.random.normal(k2, (D_IN, N_CLASSES), dtype=jnp.float32) * 0.05
    b = jax.random.normal(k3, (N_CLASSES,), dtype=jnp.float32) * 0.01
    # histogram-binning calibration table (precomputed by histogram_binning());
    # entries in (0,1) are estimated posteriors, -1.0 marks empty bins.
    histogram = jax.random.uniform(k4, (N_BINS,), dtype=jnp.float32, minval=0.01, maxval=0.99)
    return {"x": x, "W": W, "b": b, "histogram": histogram}


def reference(x, W, b, histogram):
    # base_model forward (linear classifier stand-in)
    logits = x @ W + b
    sm = jax.nn.softmax(logits, axis=1)
    # get_calibrated_softmax_vector, vectorized over the batch
    conf = jnp.max(sm, axis=1)              # sm_argmax
    pred = jnp.argmax(sm, axis=1)           # predictions
    # get_posterior: bin i covers (i/n_bins, (i+1)/n_bins] per gt(lower)&le(upper)
    idx = jnp.clip(jnp.ceil(conf * N_BINS).astype(jnp.int32) - 1, 0, N_BINS - 1)
    hist_val = jnp.take(histogram, idx, axis=0)
    est = jnp.where(hist_val == -1.0, conf, hist_val)  # fall back to raw softmax for empty bins
    onehot = jax.nn.one_hot(pred, N_CLASSES, dtype=sm.dtype)
    masked = sm * (1.0 - onehot)            # zero out argmax entry
    remain = 1.0 - est
    rescaled = remain[:, None] * masked / jnp.sum(masked, axis=1, keepdims=True)
    rescaled = rescaled * (1.0 - onehot) + onehot * est[:, None]
    sm_calib = rescaled / jnp.sum(rescaled, axis=1, keepdims=True)
    return sm_calib

if __name__ == "__main__":
    import jax
    _d = setup_inputs()
    print(jax.jit(kernel)(*tuple(_d.values())))

</pallas_src>

<mosaic_0001>
#map = affine_map<(d0, d1) -> (0)>
module attributes {stable_mosaic.version = 14 : i64} {
  func.func @k(%arg0: i32, %arg1: i32, %arg2: memref<16384xf32, #tpu.memory_space<hbm>>, %arg3: memref<16xf32, #tpu.memory_space<hbm>>, %arg4: memref<16384xf32, #tpu.memory_space<hbm>>, %arg5: memref<512xf32, #tpu.memory_space<vmem>>, %arg6: memref<16xf32, #tpu.memory_space<vmem>>, %arg7: memref<512xf32, #tpu.memory_space<vmem>>) attributes {dimension_semantics = [#tpu.dimension_semantics<core_parallel>, #tpu.dimension_semantics<subcore_parallel>], iteration_bounds = array<i64: 2, 16>, scalar_prefetch = 0 : i64, scratch_operands = 3 : i64, tpu.core_type = #tpu.core_type<sc_vector_subcore>, window_params = [{transform_indices = #map}, {transform_indices = #map}, {transform_indices = #map}]} {
    %mul3A = arith.constant 2 : i32
    %mul3A_0 = arith.muli %arg1, %mul3A : i32
    %add3A = arith.addi %mul3A_0, %arg0 : i32
    %mul3A_1 = arith.constant 512 : i32
    %mul3A_2 = arith.muli %add3A, %mul3A_1 : i32
    "tpu.region"() ({
      %run_scoped3A = tpu.sem_alloc : memref<!tpu.dma_semaphore, #tpu.memory_space<semaphore_mem>>
      %dma_start3A = tpu.memref_slice %arg2[%mul3A_2] : memref<16384xf32, #tpu.memory_space<hbm>> -> memref<512xf32, #tpu.memory_space<hbm>>
      %dma_start3A_856 = tpu.memref_slice %arg2[%mul3A_2] : memref<16384xf32, #tpu.memory_space<hbm>> -> memref<512xf32, #tpu.memory_space<hbm>>
      tpu.enqueue_dma source(%dma_start3A_856 : memref<512xf32, #tpu.memory_space<hbm>>) target(%arg5 : memref<512xf32, #tpu.memory_space<vmem>>) target_semaphore(%run_scoped3A : memref<!tpu.dma_semaphore, #tpu.memory_space<semaphore_mem>>)
      %dma_wait3A = tpu.memref_slice %arg2[%mul3A_2] : memref<16384xf32, #tpu.memory_space<hbm>> -> memref<512xf32, #tpu.memory_space<hbm>>
      %dma_wait3A_857 = tpu.memref_slice %arg2[%mul3A_2] : memref<16384xf32, #tpu.memory_space<hbm>> -> memref<512xf32, #tpu.memory_space<hbm>>
      tpu.wait_dma2 semaphore(%run_scoped3A : memref<!tpu.dma_semaphore, #tpu.memory_space<semaphore_mem>>) src(%dma_wait3A_857 : memref<512xf32, #tpu.memory_space<hbm>>) dst(%arg5 : memref<512xf32, #tpu.memory_space<vmem>>)
      tpu.yield
    }) : () -> ()
    "tpu.region"() ({
      %run_scoped3A = tpu.sem_alloc : memref<!tpu.dma_semaphore, #tpu.memory_space<semaphore_mem>>
      tpu.enqueue_dma source(%arg3 : memref<16xf32, #tpu.memory_space<hbm>>) target(%arg6 : memref<16xf32, #tpu.memory_space<vmem>>) target_semaphore(%run_scoped3A : memref<!tpu.dma_semaphore, #tpu.memory_space<semaphore_mem>>)
      tpu.wait_dma2 semaphore(%run_scoped3A : memref<!tpu.dma_semaphore, #tpu.memory_space<semaphore_mem>>) src(%arg3 : memref<16xf32, #tpu.memory_space<hbm>>) dst(%arg6 : memref<16xf32, #tpu.memory_space<vmem>>)
      tpu.yield
    }) : () -> ()
    %get3A = arith.constant 0 : index
    %get3A_3 = tpu.vector_load %arg5[%get3A] {strides = array<i32>} : memref<512xf32, #tpu.memory_space<vmem>>, vector<16xf32>,
    %mul3A_4 = arith.constant 1.500000e+01 : f32
    %mul3A_5 = vector.broadcast %mul3A_4 : f32 to vector<16xf32>
    %mul3A_6 = arith.mulf %get3A_3, %mul3A_5 : vector<16xf32>
    %convert_element_type3A = arith.fptosi %mul3A_6 : vector<16xf32> to vector<16xi32>
    %convert_element_type3A_7 = arith.sitofp %convert_element_type3A : vector<16xi32> to vector<16xf32>
    %eq3A = arith.cmpf oeq, %convert_element_type3A_7, %mul3A_6 : vector<16xf32>
    %jit3A = arith.constant 1 : i32
    %jit3A_8 = arith.constant 0 : i32
    %broadcast_in_dim3A = vector.broadcast %jit3A : i32 to vector<16xi32>
    %broadcast_in_dim3A_9 = vector.broadcast %jit3A_8 : i32 to vector<16xi32>
    %select_n3A = arith.select %eq3A, %broadcast_in_dim3A, %broadcast_in_dim3A_9 : vector<16xi1>, vector<16xi32>
    %sub3A = arith.subi %convert_element_type3A, %select_n3A : vector<16xi32>
    %max3A = arith.constant 0 : i32
    %max3A_10 = vector.broadcast %max3A : i32 to vector<16xi32>
    %max3A_11 = arith.maxsi %sub3A, %max3A_10 : vector<16xi32>
    %min3A = arith.constant 14 : i32
    %min3A_12 = vector.broadcast %min3A : i32 to vector<16xi32>
    %min3A_13 = arith.minsi %max3A_11, %min3A_12 : vector<16xi32>
    %gather3A = tpu.vector_load_idx %arg6[%min3A_13] : memref<16xf32, #tpu.memory_space<vmem>>[vector<16xi32>], vector<16xf32>,
    %eq3A_14 = arith.constant -1.000000e+00 : f32
    %eq3A_15 = vector.broadcast %eq3A_14 : f32 to vector<16xf32>
    %eq3A_16 = arith.cmpf oeq, %gather3A, %eq3A_15 : vector<16xf32>
    %select_n3A_17 = arith.select %eq3A_16, %get3A_3, %gather3A : vector<16xi1>, vector<16xf32>
    %swap3A = arith.constant 0 : index
    %swap3A_18 = tpu.vector_load %arg7[%swap3A] {strides = array<i32>} : memref<512xf32, #tpu.memory_space<vmem>>, vector<16xf32>,
    tpu.vector_store %arg7[%swap3A], %select_n3A_17 {strides = array<i32>} : memref<512xf32, #tpu.memory_space<vmem>>, vector<16xf32>,
    %get3A_19 = arith.constant 16 : index
    %get3A_20 = tpu.vector_load %arg5[%get3A_19] {strides = array<i32>} : memref<512xf32, #tpu.memory_space<vmem>>, vector<16xf32>,
    %mul3A_21 = arith.constant 1.500000e+01 : f32
    %mul3A_22 = vector.broadcast %mul3A_21 : f32 to vector<16xf32>
    %mul3A_23 = arith.mulf %get3A_20, %mul3A_22 : vector<16xf32>
    %convert_element_type3A_24 = arith.fptosi %mul3A_23 : vector<16xf32> to vector<16xi32>
    %convert_element_type3A_25 = arith.sitofp %convert_element_type3A_24 : vector<16xi32> to vector<16xf32>
    %eq3A_26 = arith.cmpf oeq, %convert_element_type3A_25, %mul3A_23 : vector<16xf32>
    %jit3A_27 = arith.constant 1 : i32
    %jit3A_28 = arith.constant 0 : i32
    %broadcast_in_dim3A_29 = vector.broadcast %jit3A_27 : i32 to vector<16xi32>
    %broadcast_in_dim3A_30 = vector.broadcast %jit3A_28 : i32 to vector<16xi32>
    %select_n3A_31 = arith.select %eq3A_26, %broadcast_in_dim3A_29, %broadcast_in_dim3A_30 : vector<16xi1>, vector<16xi32>
    %sub3A_32 = arith.subi %convert_element_type3A_24, %select_n3A_31 : vector<16xi32>
    %max3A_33 = arith.constant 0 : i32
    %max3A_34 = vector.broadcast %max3A_33 : i32 to vector<16xi32>
    %max3A_35 = arith.maxsi %sub3A_32, %max3A_34 : vector<16xi32>
    %min3A_36 = arith.constant 14 : i32
    %min3A_37 = vector.broadcast %min3A_36 : i32 to vector<16xi32>
    %min3A_38 = arith.minsi %max3A_35, %min3A_37 : vector<16xi32>
    %gather3A_39 = tpu.vector_load_idx %arg6[%min3A_38] : memref<16xf32, #tpu.memory_space<vmem>>[vector<16xi32>], vector<16xf32>,
    %eq3A_40 = arith.constant -1.000000e+00 : f32
    %eq3A_41 = vector.broadcast %eq3A_40 : f32 to vector<16xf32>
    %eq3A_42 = arith.cmpf oeq, %gather3A_39, %eq3A_41 : vector<16xf32>
    %select_n3A_43 = arith.select %eq3A_42, %get3A_20, %gather3A_39 : vector<16xi1>, vector<16xf32>
    %swap3A_44 = arith.constant 16 : index
    %swap3A_45 = tpu.vector_load %arg7[%swap3A_44] {strides = array<i32>} : memref<512xf32, #tpu.memory_space<vmem>>, vector<16xf32>,
    tpu.vector_store %arg7[%swap3A_44], %select_n3A_43 {strides = array<i32>} : memref<512xf32, #tpu.memory_space<vmem>>, vector<16xf32>,
    %get3A_46 = arith.constant 32 : index
    %get3A_47 = tpu.vector_load %arg5[%get3A_46] {strides = array<i32>} : memref<512xf32, #tpu.memory_space<vmem>>, vector<16xf32>,
    %mul3A_48 = arith.constant 1.500000e+01 : f32
    %mul3A_49 = vector.broadcast %mul3A_48 : f32 to vector<16xf32>
    %mul3A_50 = arith.mulf %get3A_47, %mul3A_49 : vector<16xf32>
    %convert_element_type3A_51 = arith.fptosi %mul3A_50 : vector<16xf32> to vector<16xi32>
    %convert_element_type3A_52 = arith.sitofp %convert_element_type3A_51 : vector<16xi32> to vector<16xf32>
    %eq3A_53 = arith.cmpf oeq, %convert_element_type3A_52, %mul3A_50 : vector<16xf32>
    %jit3A_54 = arith.constant 1 : i32
    %jit3A_55 = arith.constant 0 : i32
    %broadcast_in_dim3A_56 = vector.broadcast %jit3A_54 : i32 to vector<16xi32>
    %broadcast_in_dim3A_57 = vector.broadcast %jit3A_55 : i32 to vector<16xi32>
    %select_n3A_58 = arith.select %eq3A_53, %broadcast_in_dim3A_56, %broadcast_in_dim3A_57 : vector<16xi1>, vector<16xi32>
    %sub3A_59 = arith.subi %convert_element_type3A_51, %select_n3A_58 : vector<16xi32>
    %max3A_60 = arith.constant 0 : i32
    %max3A_61 = vector.broadcast %max3A_60 : i32 to vector<16xi32>
    %max3A_62 = arith.maxsi %sub3A_59, %max3A_61 : vector<16xi32>
    %min3A_63 = arith.constant 14 : i32
    %min3A_64 = vector.broadcast %min3A_63 : i32 to vector<16xi32>
    %min3A_65 = arith.minsi %max3A_62, %min3A_64 : vector<16xi32>
    %gather3A_66 = tpu.vector_load_idx %arg6[%min3A_65] : memref<16xf32, #tpu.memory_space<vmem>>[vector<16xi32>], vector<16xf32>,
    %eq3A_67 = arith.constant -1.000000e+00 : f32
    %eq3A_68 = vector.broadcast %eq3A_67 : f32 to vector<16xf32>
    %eq3A_69 = arith.cmpf oeq, %gather3A_66, %eq3A_68 : vector<16xf32>
    %select_n3A_70 = arith.select %eq3A_69, %get3A_47, %gather3A_66 : vector<16xi1>, vector<16xf32>
    %swap3A_71 = arith.constant 32 : index
    %swap3A_72 = tpu.vector_load %arg7[%swap3A_71] {strides = array<i32>} : memref<512xf32, #tpu.memory_space<vmem>>, vector<16xf32>,
    tpu.vector_store %arg7[%swap3A_71], %select_n3A_70 {strides = array<i32>} : memref<512xf32, #tpu.memory_space<vmem>>, vector<16xf32>,
    %get3A_73 = arith.constant 48 : index
    %get3A_74 = tpu.vector_load %arg5[%get3A_73] {strides = array<i32>} : memref<512xf32, #tpu.memory_space<vmem>>, vector<16xf32>,
    %mul3A_75 = arith.constant 1.500000e+01 : f32
    %mul3A_76 = vector.broadcast %mul3A_75 : f32 to vector<16xf32>
    %mul3A_77 = arith.mulf %get3A_74, %mul3A_76 : vector<16xf32>
    %convert_element_type3A_78 = arith.fptosi %mul3A_77 : vector<16xf32> to vector<16xi32>
    %convert_element_type3A_79 = arith.sitofp %convert_element_type3A_78 : vector<16xi32> to vector<16xf32>
    %eq3A_80 = arith.cmpf oeq, %convert_element_type3A_79, %mul3A_77 : vector<16xf32>
    %jit3A_81 = arith.constant 1 : i32
    %jit3A_82 = arith.constant 0 : i32
    %broadcast_in_dim3A_83 = vector.broadcast %jit3A_81 : i32 to vector<16xi32>
    %broadcast_in_dim3A_84 = vector.broadcast %jit3A_82 : i32 to vector<16xi32>
    %select_n3A_85 = arith.select %eq3A_80, %broadcast_in_dim3A_83, %broadcast_in_dim3A_84 : vector<16xi1>, vector<16xi32>
    %sub3A_86 = arith.subi %convert_element_type3A_78, %select_n3A_85 : vector<16xi32>
    %max3A_87 = arith.constant 0 : i32
    %max3A_88 = vector.broadcast %max3A_87 : i32 to vector<16xi32>
    %max3A_89 = arith.maxsi %sub3A_86, %max3A_88 : vector<16xi32>
    %min3A_90 = arith.constant 14 : i32
    %min3A_91 = vector.broadcast %min3A_90 : i32 to vector<16xi32>
    %min3A_92 = arith.minsi %max3A_89, %min3A_91 : vector<16xi32>
    %gather3A_93 = tpu.vector_load_idx %arg6[%min3A_92] : memref<16xf32, #tpu.memory_space<vmem>>[vector<16xi32>], vector<16xf32>,
    %eq3A_94 = arith.constant -1.000000e+00 : f32
    %eq3A_95 = vector.broadcast %eq3A_94 : f32 to vector<16xf32>
    %eq3A_96 = arith.cmpf oeq, %gather3A_93, %eq3A_95 : vector<16xf32>
    %select_n3A_97 = arith.select %eq3A_96, %get3A_74, %gather3A_93 : vector<16xi1>, vector<16xf32>
    %swap3A_98 = arith.constant 48 : index
    %swap3A_99 = tpu.vector_load %arg7[%swap3A_98] {strides = array<i32>} : memref<512xf32, #tpu.memory_space<vmem>>, vector<16xf32>,
    tpu.vector_store %arg7[%swap3A_98], %select_n3A_97 {strides = array<i32>} : memref<512xf32, #tpu.memory_space<vmem>>, vector<16xf32>,
    %get3A_100 = arith.constant 64 : index
    %get3A_101 = tpu.vector_load %arg5[%get3A_100] {strides = array<i32>} : memref<512xf32, #tpu.memory_space<vmem>>, vector<16xf32>,
    %mul3A_102 = arith.constant 1.500000e+01 : f32
    %mul3A_103 = vector.broadcast %mul3A_102 : f32 to vector<16xf32>
    %mul3A_104 = arith.mulf %get3A_101, %mul3A_103 : vector<16xf32>
    %convert_element_type3A_105 = arith.fptosi %mul3A_104 : vector<16xf32> to vector<16xi32>
    %convert_element_type3A_106 = arith.sitofp %convert_element_type3A_105 : vector<16xi32> to vector<16xf32>
    %eq3A_107 = arith.cmpf oeq, %convert_element_type3A_106, %mul3A_104 : vector<16xf32>
    %jit3A_108 = arith.constant 1 : i32
    %jit3A_109 = arith.constant 0 : i32
    %broadcast_in_dim3A_110 = vector.broadcast %jit3A_108 : i32 to vector<16xi32>
    %broadcast_in_dim3A_111 = vector.broadcast %jit3A_109 : i32 to vector<16xi32>
    %select_n3A_112 = arith.select %eq3A_107, %broadcast_in_dim3A_110, %broadcast_in_dim3A_111 : vector<16xi1>, vector<16xi32>
    %sub3A_113 = arith.subi %convert_element_type3A_105, %select_n3A_112 : vector<16xi32>
    %max3A_114 = arith.constant 0 : i32
    %max3A_115 = vector.broadcast %max3A_114 : i32 to vector<16xi32>
    %max3A_116 = arith.maxsi %sub3A_113, %max3A_115 : vector<16xi32>
    %min3A_117 = arith.constant 14 : i32
    %min3A_118 = vector.broadcast %min3A_117 : i32 to vector<16xi32>
    %min3A_119 = arith.minsi %max3A_116, %min3A_118 : vector<16xi32>
    %gather3A_120 = tpu.vector_load_idx %arg6[%min3A_119] : memref<16xf32, #tpu.memory_space<vmem>>[vector<16xi32>], vector<16xf32>,
    %eq3A_121 = arith.constant -1.000000e+00 : f32
    %eq3A_122 = vector.broadcast %eq3A_121 : f32 to vector<16xf32>
    %eq3A_123 = arith.cmpf oeq, %gather3A_120, %eq3A_122 : vector<16xf32>
    %select_n3A_124 = arith.select %eq3A_123, %get3A_101, %gather3A_120 : vector<16xi1>, vector<16xf32>
    %swap3A_125 = arith.constant 64 : index
    %swap3A_126 = tpu.vector_load %arg7[%swap3A_125] {strides = array<i32>} : memref<512xf32, #tpu.memory_space<vmem>>, vector<16xf32>,
    tpu.vector_store %arg7[%swap3A_125], %select_n3A_124 {strides = array<i32>} : memref<512xf32, #tpu.memory_space<vmem>>, vector<16xf32>,
    %get3A_127 = arith.constant 80 : index
    %get3A_128 = tpu.vector_load %arg5[%get3A_127] {strides = array<i32>} : memref<512xf32, #tpu.memory_space<vmem>>, vector<16xf32>,
    %mul3A_129 = arith.constant 1.500000e+01 : f32
    %mul3A_130 = vector.broadcast %mul3A_129 : f32 to vector<16xf32>
    %mul3A_131 = arith.mulf %get3A_128, %mul3A_130 : vector<16xf32>
    %convert_element_type3A_132 = arith.fptosi %mul3A_131 : vector<16xf32> to vector<16xi32>
    %convert_element_type3A_133 = arith.sitofp %convert_element_type3A_132 : vector<16xi32> to vector<16xf32>
    %eq3A_134 = arith.cmpf oeq, %convert_element_type3A_133, %mul3A_131 : vector<16xf32>
    %jit3A_135 = arith.constant 1 : i32
    %jit3A_136 = arith.constant 0 : i32
    %broadcast_in_dim3A_137 = vector.broadcast %jit3A_135 : i32 to vector<16xi32>
    %broadcast_in_dim3A_138 = vector.broadcast %jit3A_136 : i32 to vector<16xi32>
    %select_n3A_139 = arith.select %eq3A_134, %broadcast_in_dim3A_137, %broadcast_in_dim3A_138 : vector<16xi1>, vector<16xi32>
    %sub3A_140 = arith.subi %convert_element_type3A_132, %select_n3A_139 : vector<16xi32>
    %max3A_141 = arith.constant 0 : i32
    %max3A_142 = vector.broadcast %max3A_141 : i32 to vector<16xi32>
    %max3A_143 = arith.maxsi %sub3A_140, %max3A_142 : vector<16xi32>
    %min3A_144 = arith.constant 14 : i32
    %min3A_145 = vector.broadcast %min3A_144 : i32 to vector<16xi32>
    %min3A_146 = arith.minsi %max3A_143, %min3A_145 : vector<16xi32>
    %gather3A_147 = tpu.vector_load_idx %arg6[%min3A_146] : memref<16xf32, #tpu.memory_space<vmem>>[vector<16xi32>], vector<16xf32>,
    %eq3A_148 = arith.constant -1.000000e+00 : f32
    %eq3A_149 = vector.broadcast %eq3A_148 : f32 to vector<16xf32>
    %eq3A_150 = arith.cmpf oeq, %gather3A_147, %eq3A_149 : vector<16xf32>
    %select_n3A_151 = arith.select %eq3A_150, %get3A_128, %gather3A_147 : vector<16xi1>, vector<16xf32>
    %swap3A_152 = arith.constant 80 : index
    %swap3A_153 = tpu.vector_load %arg7[%swap3A_152] {strides = array<i32>} : memref<512xf32, #tpu.memory_space<vmem>>, vector<16xf32>,
    tpu.vector_store %arg7[%swap3A_152], %select_n3A_151 {strides = array<i32>} : memref<512xf32, #tpu.memory_space<vmem>>, vector<16xf32>,
    %get3A_154 = arith.constant 96 : index
    %get3A_155 = tpu.vector_load %arg5[%get3A_154] {strides = array<i32>} : memref<512xf32, #tpu.memory_space<vmem>>, vector<16xf32>,
    %mul3A_156 = arith.constant 1.500000e+01 : f32
    %mul3A_157 = vector.broadcast %mul3A_156 : f32 to vector<16xf32>
    %mul3A_158 = arith.mulf %get3A_155, %mul3A_157 : vector<16xf32>
    %convert_element_type3A_159 = arith.fptosi %mul3A_158 : vector<16xf32> to vector<16xi32>
    %convert_element_type3A_160 = arith.sitofp %convert_element_type3A_159 : vector<16xi32> to vector<16xf32>
    %eq3A_161 = arith.cmpf oeq, %convert_element_type3A_160, %mul3A_158 : vector<16xf32>
    %jit3A_162 = arith.constant 1 : i32
    %jit3A_163 = arith.constant 0 : i32
    %broadcast_in_dim3A_164 = vector.broadcast %jit3A_162 : i32 to vector<16xi32>
    %broadcast_in_dim3A_165 = vector.broadcast %jit3A_163 : i32 to vector<16xi32>
    %select_n3A_166 = arith.select %eq3A_161, %broadcast_in_dim3A_164, %broadcast_in_dim3A_165 : vector<16xi1>, vector<16xi32>
    %sub3A_167 = arith.subi %convert_element_type3A_159, %select_n3A_166 : vector<16xi32>
    %max3A_168 = arith.constant 0 : i32
    %max3A_169 = vector.broadcast %max3A_168 : i32 to vector<16xi32>
    %max3A_170 = arith.maxsi %sub3A_167, %max3A_169 : vector<16xi32>
    %min3A_171 = arith.constant 14 : i32
    %min3A_172 = vector.broadcast %min3A_171 : i32 to vector<16xi32>
    %min3A_173 = arith.minsi %max3A_170, %min3A_172 : vector<16xi32>
    %gather3A_174 = tpu.vector_load_idx %arg6[%min3A_173] : memref<16xf32, #tpu.memory_space<vmem>>[vector<16xi32>], vector<16xf32>,
    %eq3A_175 = arith.constant -1.000000e+00 : f32
    %eq3A_176 = vector.broadcast %eq3A_175 : f32 to vector<16xf32>
    %eq3A_177 = arith.cmpf oeq, %gather3A_174, %eq3A_176 : vector<16xf32>
    %select_n3A_178 = arith.select %eq3A_177, %get3A_155, %gather3A_174 : vector<16xi1>, vector<16xf32>
    %swap3A_179 = arith.constant 96 : index
    %swap3A_180 = tpu.vector_load %arg7[%swap3A_179] {strides = array<i32>} : memref<512xf32, #tpu.memory_space<vmem>>, vector<16xf32>,
    tpu.vector_store %arg7[%swap3A_179], %select_n3A_178 {strides = array<i32>} : memref<512xf32, #tpu.memory_space<vmem>>, vector<16xf32>,
    %get3A_181 = arith.constant 112 : index
    %get3A_182 = tpu.vector_load %arg5[%get3A_181] {strides = array<i32>} : memref<512xf32, #tpu.memory_space<vmem>>, vector<16xf32>,
    %mul3A_183 = arith.constant 1.500000e+01 : f32
    %mul3A_184 = vector.broadcast %mul3A_183 : f32 to vector<16xf32>
    %mul3A_185 = arith.mulf %get3A_182, %mul3A_184 : vector<16xf32>
    %convert_element_type3A_186 = arith.fptosi %mul3A_185 : vector<16xf32> to vector<16xi32>
    %convert_element_type3A_187 = arith.sitofp %convert_element_type3A_186 : vector<16xi32> to vector<16xf32>
    %eq3A_188 = arith.cmpf oeq, %convert_element_type3A_187, %mul3A_185 : vector<16xf32>
    %jit3A_189 = arith.constant 1 : i32
    %jit3A_190 = arith.constant 0 : i32
    %broadcast_in_dim3A_191 = vector.broadcast %jit3A_189 : i32 to vector<16xi32>
    %broadcast_in_dim3A_192 = vector.broadcast %jit3A_190 : i32 to vector<16xi32>
    %select_n3A_193 = arith.select %eq3A_188, %broadcast_in_dim3A_191, %broadcast_in_dim3A_192 : vector<16xi1>, vector<16xi32>
    %sub3A_194 = arith.subi %convert_element_type3A_186, %select_n3A_193 : vector<16xi32>
    %max3A_195 = arith.constant 0 : i32
    %max3A_196 = vector.broadcast %max3A_195 : i32 to vector<16xi32>
    %max3A_197 = arith.maxsi %sub3A_194, %max3A_196 : vector<16xi32>
    %min3A_198 = arith.constant 14 : i32
    %min3A_199 = vector.broadcast %min3A_198 : i32 to vector<16xi32>
    %min3A_200 = arith.minsi %max3A_197, %min3A_199 : vector<16xi32>
    %gather3A_201 = tpu.vector_load_idx %arg6[%min3A_200] : memref<16xf32, #tpu.memory_space<vmem>>[vector<16xi32>], vector<16xf32>,
    %eq3A_202 = arith.constant -1.000000e+00 : f32
    %eq3A_203 = vector.broadcast %eq3A_202 : f32 to vector<16xf32>
    %eq3A_204 = arith.cmpf oeq, %gather3A_201, %eq3A_203 : vector<16xf32>
    %select_n3A_205 = arith.select %eq3A_204, %get3A_182, %gather3A_201 : vector<16xi1>, vector<16xf32>
    %swap3A_206 = arith.constant 112 : index
    %swap3A_207 = tpu.vector_load %arg7[%swap3A_206] {strides = array<i32>} : memref<512xf32, #tpu.memory_space<vmem>>, vector<16xf32>,
    tpu.vector_store %arg7[%swap3A_206], %select_n3A_205 {strides = array<i32>} : memref<512xf32, #tpu.memory_space<vmem>>, vector<16xf32>,
    %get3A_208 = arith.constant 128 : index
    %get3A_209 = tpu.vector_load %arg5[%get3A_208] {strides = array<i32>} : memref<512xf32, #tpu.memory_space<vmem>>, vector<16xf32>,
    %mul3A_210 = arith.constant 1.500000e+01 : f32
    %mul3A_211 = vector.broadcast %mul3A_210 : f32 to vector<16xf32>
    %mul3A_212 = arith.mulf %get3A_209, %mul3A_211 : vector<16xf32>
    %convert_element_type3A_213 = arith.fptosi %mul3A_212 : vector<16xf32> to vector<16xi32>
    %convert_element_type3A_214 = arith.sitofp %convert_element_type3A_213 : vector<16xi32> to vector<16xf32>
    %eq3A_215 = arith.cmpf oeq, %convert_element_type3A_214, %mul3A_212 : vector<16xf32>
    %jit3A_216 = arith.constant 1 : i32
    %jit3A_217 = arith.constant 0 : i32
    %broadcast_in_dim3A_218 = vector.broadcast %jit3A_216 : i32 to vector<16xi32>
    %broadcast_in_dim3A_219 = vector.broadcast %jit3A_217 : i32 to vector<16xi32>
    %select_n3A_220 = arith.select %eq3A_215, %broadcast_in_dim3A_218, %broadcast_in_dim3A_219 : vector<16xi1>, vector<16xi32>
    %sub3A_221 = arith.subi %convert_element_type3A_213, %select_n3A_220 : vector<16xi32>
    %max3A_222 = arith.constant 0 : i32
    %max3A_223 = vector.broadcast %max3A_222 : i32 to vector<16xi32>
    %max3A_224 = arith.maxsi %sub3A_221, %max3A_223 : vector<16xi32>
    %min3A_225 = arith.constant 14 : i32
    %min3A_226 = vector.broadcast %min3A_225 : i32 to vector<16xi32>
    %min3A_227 = arith.minsi %max3A_224, %min3A_226 : vector<16xi32>
    %gather3A_228 = tpu.vector_load_idx %arg6[%min3A_227] : memref<16xf32, #tpu.memory_space<vmem>>[vector<16xi32>], vector<16xf32>,
    %eq3A_229 = arith.constant -1.000000e+00 : f32
    %eq3A_230 = vector.broadcast %eq3A_229 : f32 to vector<16xf32>
    %eq3A_231 = arith.cmpf oeq, %gather3A_228, %eq3A_230 : vector<16xf32>
    %select_n3A_232 = arith.select %eq3A_231, %get3A_209, %gather3A_228 : vector<16xi1>, vector<16xf32>
    %swap3A_233 = arith.constant 128 : index
    %swap3A_234 = tpu.vector_load %arg7[%swap3A_233] {strides = array<i32>} : memref<512xf32, #tpu.memory_space<vmem>>, vector<16xf32>,
    tpu.vector_store %arg7[%swap3A_233], %select_n3A_232 {strides = array<i32>} : memref<512xf32, #tpu.memory_space<vmem>>, vector<16xf32>,
    %get3A_235 = arith.constant 144 : index
    %get3A_236 = tpu.vector_load %arg5[%get3A_235] {strides = array<i32>} : memref<512xf32, #tpu.memory_space<vmem>>, vector<16xf32>,
    %mul3A_237 = arith.constant 1.500000e+01 : f32
    %mul3A_238 = vector.broadcast %mul3A_237 : f32 to vector<16xf32>
    %mul3A_239 = arith.mulf %get3A_236, %mul3A_238 : vector<16xf32>
    %convert_element_type3A_240 = arith.fptosi %mul3A_239 : vector<16xf32> to vector<16xi32>
    %convert_element_type3A_241 = arith.sitofp %convert_element_type3A_240 : vector<16xi32> to vector<16xf32>
    %eq3A_242 = arith.cmpf oeq, %convert_element_type3A_241, %mul3A_239 : vector<16xf32>
    %jit3A_243 = arith.constant 1 : i32
    %jit3A_244 = arith.constant 0 : i32
    %broadcast_in_dim3A_245 = vector.broadcast %jit3A_243 : i32 to vector<16xi32>
    %broadcast_in_dim3A_246 = vector.broadcast %jit3A_244 : i32 to vector<16xi32>
    %select_n3A_247 = arith.select %eq3A_242, %broadcast_in_dim3A_245, %broadcast_in_dim3A_246 : vector<16xi1>, vector<16xi32>
    %sub3A_248 = arith.subi %convert_element_type3A_240, %select_n3A_247 : vector<16xi32>
    %max3A_249 = arith.constant 0 : i32
    %max3A_250 = vector.broadcast %max3A_249 : i32 to vector<16xi32>
    %max3A_251 = arith.maxsi %sub3A_248, %max3A_250 : vector<16xi32>
    %min3A_252 = arith.constant 14 : i32
    %min3A_253 = vector.broadcast %min3A_252 : i32 to vector<16xi32>
    %min3A_254 = arith.minsi %max3A_251, %min3A_253 : vector<16xi32>
    %gather3A_255 = tpu.vector_load_idx %arg6[%min3A_254] : memref<16xf32, #tpu.memory_space<vmem>>[vector<16xi32>], vector<16xf32>,
    %eq3A_256 = arith.constant -1.000000e+00 : f32
    %eq3A_257 = vector.broadcast %eq3A_256 : f32 to vector<16xf32>
    %eq3A_258 = arith.cmpf oeq, %gather3A_255, %eq3A_257 : vector<16xf32>
    %select_n3A_259 = arith.select %eq3A_258, %get3A_236, %gather3A_255 : vector<16xi1>, vector<16xf32>
    %swap3A_260 = arith.constant 144 : index
    %swap3A_261 = tpu.vector_load %arg7[%swap3A_260] {strides = array<i32>} : memref<512xf32, #tpu.memory_space<vmem>>, vector<16xf32>,
    tpu.vector_store %arg7[%swap3A_260], %select_n3A_259 {strides = array<i32>} : memref<512xf32, #tpu.memory_space<vmem>>, vector<16xf32>,
    %get3A_262 = arith.constant 160 : index
    %get3A_263 = tpu.vector_load %arg5[%get3A_262] {strides = array<i32>} : memref<512xf32, #tpu.memory_space<vmem>>, vector<16xf32>,
    %mul3A_264 = arith.constant 1.500000e+01 : f32
    %mul3A_265 = vector.broadcast %mul3A_264 : f32 to vector<16xf32>
    %mul3A_266 = arith.mulf %get3A_263, %mul3A_265 : vector<16xf32>
    %convert_element_type3A_267 = arith.fptosi %mul3A_266 : vector<16xf32> to vector<16xi32>
    %convert_element_type3A_268 = arith.sitofp %convert_element_type3A_267 : vector<16xi32> to vector<16xf32>
    %eq3A_269 = arith.cmpf oeq, %convert_element_type3A_268, %mul3A_266 : vector<16xf32>
    %jit3A_270 = arith.constant 1 : i32
    %jit3A_271 = arith.constant 0 : i32
    %broadcast_in_dim3A_272 = vector.broadcast %jit3A_270 : i32 to vector<16xi32>
    %broadcast_in_dim3A_273 = vector.broadcast %jit3A_271 : i32 to vector<16xi32>
    %select_n3A_274 = arith.select %eq3A_269, %broadcast_in_dim3A_272, %broadcast_in_dim3A_273 : vector<16xi1>, vector<16xi32>
    %sub3A_275 = arith.subi %convert_element_type3A_267, %select_n3A_274 : vector<16xi32>
    %max3A_276 = arith.constant 0 : i32
    %max3A_277 = vector.broadcast %max3A_276 : i32 to vector<16xi32>
    %max3A_278 = arith.maxsi %sub3A_275, %max3A_277 : vector<16xi32>
    %min3A_279 = arith.constant 14 : i32
    %min3A_280 = vector.broadcast %min3A_279 : i32 to vector<16xi32>
    %min3A_281 = arith.minsi %max3A_278, %min3A_280 : vector<16xi32>
    %gather3A_282 = tpu.vector_load_idx %arg6[%min3A_281] : memref<16xf32, #tpu.memory_space<vmem>>[vector<16xi32>], vector<16xf32>,
    %eq3A_283 = arith.constant -1.000000e+00 : f32
    %eq3A_284 = vector.broadcast %eq3A_283 : f32 to vector<16xf32>
    %eq3A_285 = arith.cmpf oeq, %gather3A_282, %eq3A_284 : vector<16xf32>
    %select_n3A_286 = arith.select %eq3A_285, %get3A_263, %gather3A_282 : vector<16xi1>, vector<16xf32>
    %swap3A_287 = arith.constant 160 : index
    %swap3A_288 = tpu.vector_load %arg7[%swap3A_287] {strides = array<i32>} : memref<512xf32, #tpu.memory_space<vmem>>, vector<16xf32>,
    tpu.vector_store %arg7[%swap3A_287], %select_n3A_286 {strides = array<i32>} : memref<512xf32, #tpu.memory_space<vmem>>, vector<16xf32>,
    %get3A_289 = arith.constant 176 : index
    %get3A_290 = tpu.vector_load %arg5[%get3A_289] {strides = array<i32>} : memref<512xf32, #tpu.memory_space<vmem>>, vector<16xf32>,
    %mul3A_291 = arith.constant 1.500000e+01 : f32
    %mul3A_292 = vector.broadcast %mul3A_291 : f32 to vector<16xf32>
    %mul3A_293 = arith.mulf %get3A_290, %mul3A_292 : vector<16xf32>
    %convert_element_type3A_294 = arith.fptosi %mul3A_293 : vector<16xf32> to vector<16xi32>
    %convert_element_type3A_295 = arith.sitofp %convert_element_type3A_294 : vector<16xi32> to vector<16xf32>
    %eq3A_296 = arith.cmpf oeq, %convert_element_type3A_295, %mul3A_293 : vector<16xf32>
    %jit3A_297 = arith.constant 1 : i32
    %jit3A_298 = arith.constant 0 : i32
    %broadcast_in_dim3A_299 = vector.broadcast %jit3A_297 : i32 to vector<16xi32>
    %broadcast_in_dim3A_300 = vector.broadcast %jit3A_298 : i32 to vector<16xi32>
    %select_n3A_301 = arith.select %eq3A_296, %broadcast_in_dim3A_299, %broadcast_in_dim3A_300 : vector<16xi1>, vector<16xi32>
    %sub3A_302 = arith.subi %convert_element_type3A_294, %select_n3A_301 : vector<16xi32>
    %max3A_303 = arith.constant 0 : i32
    %max3A_304 = vector.broadcast %max3A_303 : i32 to vector<16xi32>
    %max3A_305 = arith.maxsi %sub3A_302, %max3A_304 : vector<16xi32>
    %min3A_306 = arith.constant 14 : i32
    %min3A_307 = vector.broadcast %min3A_306 : i32 to vector<16xi32>
    %min3A_308 = arith.minsi %max3A_305, %min3A_307 : vector<16xi32>
    %gather3A_309 = tpu.vector_load_idx %arg6[%min3A_308] : memref<16xf32, #tpu.memory_space<vmem>>[vector<16xi32>], vector<16xf32>,
    %eq3A_310 = arith.constant -1.000000e+00 : f32
    %eq3A_311 = vector.broadcast %eq3A_310 : f32 to vector<16xf32>
    %eq3A_312 = arith.cmpf oeq, %gather3A_309, %eq3A_311 : vector<16xf32>
    %select_n3A_313 = arith.select %eq3A_312, %get3A_290, %gather3A_309 : vector<16xi1>, vector<16xf32>
    %swap3A_314 = arith.constant 176 : index
    %swap3A_315 = tpu.vector_load %arg7[%swap3A_314] {strides = array<i32>} : memref<512xf32, #tpu.memory_space<vmem>>, vector<16xf32>,
    tpu.vector_store %arg7[%swap3A_314], %select_n3A_313 {strides = array<i32>} : memref<512xf32, #tpu.memory_space<vmem>>, vector<16xf32>,
    %get3A_316 = arith.constant 192 : index
    %get3A_317 = tpu.vector_load %arg5[%get3A_316] {strides = array<i32>} : memref<512xf32, #tpu.memory_space<vmem>>, vector<16xf32>,
    %mul3A_318 = arith.constant 1.500000e+01 : f32
    %mul3A_319 = vector.broadcast %mul3A_318 : f32 to vector<16xf32>
    %mul3A_320 = arith.mulf %get3A_317, %mul3A_319 : vector<16xf32>
    %convert_element_type3A_321 = arith.fptosi %mul3A_320 : vector<16xf32> to vector<16xi32>
    %convert_element_type3A_322 = arith.sitofp %convert_element_type3A_321 : vector<16xi32> to vector<16xf32>
    %eq3A_323 = arith.cmpf oeq, %convert_element_type3A_322, %mul3A_320 : vector<16xf32>
    %jit3A_324 = arith.constant 1 : i32
    %jit3A_325 = arith.constant 0 : i32
    %broadcast_in_dim3A_326 = vector.broadcast %jit3A_324 : i32 to vector<16xi32>
    %broadcast_in_dim3A_327 = vector.broadcast %jit3A_325 : i32 to vector<16xi32>
    %select_n3A_328 = arith.select %eq3A_323, %broadcast_in_dim3A_326, %broadcast_in_dim3A_327 : vector<16xi1>, vector<16xi32>
    %sub3A_329 = arith.subi %convert_element_type3A_321, %select_n3A_328 : vector<16xi32>
    %max3A_330 = arith.constant 0 : i32
    %max3A_331 = vector.broadcast %max3A_330 : i32 to vector<16xi32>
    %max3A_332 = arith.maxsi %sub3A_329, %max3A_331 : vector<16xi32>
    %min3A_333 = arith.constant 14 : i32
    %min3A_334 = vector.broadcast %min3A_333 : i32 to vector<16xi32>
    %min3A_335 = arith.minsi %max3A_332, %min3A_334 : vector<16xi32>
    %gather3A_336 = tpu.vector_load_idx %arg6[%min3A_335] : memref<16xf32, #tpu.memory_space<vmem>>[vector<16xi32>], vector<16xf32>,
    %eq3A_337 = arith.constant -1.000000e+00 : f32
    %eq3A_338 = vector.broadcast %eq3A_337 : f32 to vector<16xf32>
    %eq3A_339 = arith.cmpf oeq, %gather3A_336, %eq3A_338 : vector<16xf32>
    %select_n3A_340 = arith.select %eq3A_339, %get3A_317, %gather3A_336 : vector<16xi1>, vector<16xf32>
    %swap3A_341 = arith.constant 192 : index
    %swap3A_342 = tpu.vector_load %arg7[%swap3A_341] {strides = array<i32>} : memref<512xf32, #tpu.memory_space<vmem>>, vector<16xf32>,
    tpu.vector_store %arg7[%swap3A_341], %select_n3A_340 {strides = array<i32>} : memref<512xf32, #tpu.memory_space<vmem>>, vector<16xf32>,
    %get3A_343 = arith.constant 208 : index
    %get3A_344 = tpu.vector_load %arg5[%get3A_343] {strides = array<i32>} : memref<512xf32, #tpu.memory_space<vmem>>, vector<16xf32>,
    %mul3A_345 = arith.constant 1.500000e+01 : f32
    %mul3A_346 = vector.broadcast %mul3A_345 : f32 to vector<16xf32>
    %mul3A_347 = arith.mulf %get3A_344, %mul3A_346 : vector<16xf32>
    %convert_element_type3A_348 = arith.fptosi %mul3A_347 : vector<16xf32> to vector<16xi32>
    %convert_element_type3A_349 = arith.sitofp %convert_element_type3A_348 : vector<16xi32> to vector<16xf32>
    %eq3A_350 = arith.cmpf oeq, %convert_element_type3A_349, %mul3A_347 : vector<16xf32>
    %jit3A_351 = arith.constant 1 : i32
    %jit3A_352 = arith.constant 0 : i32
    %broadcast_in_dim3A_353 = vector.broadcast %jit3A_351 : i32 to vector<16xi32>
    %broadcast_in_dim3A_354 = vector.broadcast %jit3A_352 : i32 to vector<16xi32>
    %select_n3A_355 = arith.select %eq3A_350, %broadcast_in_dim3A_353, %broadcast_in_dim3A_354 : vector<16xi1>, vector<16xi32>
    %sub3A_356 = arith.subi %convert_element_type3A_348, %select_n3A_355 : vector<16xi32>
    %max3A_357 = arith.constant 0 : i32
    %max3A_358 = vector.broadcast %max3A_357 : i32 to vector<16xi32>
    %max3A_359 = arith.maxsi %sub3A_356, %max3A_358 : vector<16xi32>
    %min3A_360 = arith.constant 14 : i32
    %min3A_361 = vector.broadcast %min3A_360 : i32 to vector<16xi32>
    %min3A_362 = arith.minsi %max3A_359, %min3A_361 : vector<16xi32>
    %gather3A_363 = tpu.vector_load_idx %arg6[%min3A_362] : memref<16xf32, #tpu.memory_space<vmem>>[vector<16xi32>], vector<16xf32>,
    %eq3A_364 = arith.constant -1.000000e+00 : f32
    %eq3A_365 = vector.broadcast %eq3A_364 : f32 to vector<16xf32>
    %eq3A_366 = arith.cmpf oeq, %gather3A_363, %eq3A_365 : vector<16xf32>
    %select_n3A_367 = arith.select %eq3A_366, %get3A_344, %gather3A_363 : vector<16xi1>, vector<16xf32>
    %swap3A_368 = arith.constant 208 : index
    %swap3A_369 = tpu.vector_load %arg7[%swap3A_368] {strides = array<i32>} : memref<512xf32, #tpu.memory_space<vmem>>, vector<16xf32>,
    tpu.vector_store %arg7[%swap3A_368], %select_n3A_367 {strides = array<i32>} : memref<512xf32, #tpu.memory_space<vmem>>, vector<16xf32>,
    %get3A_370 = arith.constant 224 : index
    %get3A_371 = tpu.vector_load %arg5[%get3A_370] {strides = array<i32>} : memref<512xf32, #tpu.memory_space<vmem>>, vector<16xf32>,
    %mul3A_372 = arith.constant 1.500000e+01 : f32
    %mul3A_373 = vector.broadcast %mul3A_372 : f32 to vector<16xf32>
    %mul3A_374 = arith.mulf %get3A_371, %mul3A_373 : vector<16xf32>
    %convert_element_type3A_375 = arith.fptosi %mul3A_374 : vector<16xf32> to vector<16xi32>
    %convert_element_type3A_376 = arith.sitofp %convert_element_type3A_375 : vector<16xi32> to vector<16xf32>
    %eq3A_377 = arith.cmpf oeq, %convert_element_type3A_376, %mul3A_374 : vector<16xf32>
    %jit3A_378 = arith.constant 1 : i32
    %jit3A_379 = arith.constant 0 : i32
    %broadcast_in_dim3A_380 = vector.broadcast %jit3A_378 : i32 to vector<16xi32>
    %broadcast_in_dim3A_381 = vector.broadcast %jit3A_379 : i32 to vector<16xi32>
    %select_n3A_382 = arith.select %eq3A_377, %broadcast_in_dim3A_380, %broadcast_in_dim3A_381 : vector<16xi1>, vector<16xi32>
    %sub3A_383 = arith.subi %convert_element_type3A_375, %select_n3A_382 : vector<16xi32>
    %max3A_384 = arith.constant 0 : i32
    %max3A_385 = vector.broadcast %max3A_384 : i32 to vector<16xi32>
    %max3A_386 = arith.maxsi %sub3A_383, %max3A_385 : vector<16xi32>
    %min3A_387 = arith.constant 14 : i32
    %min3A_388 = vector.broadcast %min3A_387 : i32 to vector<16xi32>
    %min3A_389 = arith.minsi %max3A_386, %min3A_388 : vector<16xi32>
    %gather3A_390 = tpu.vector_load_idx %arg6[%min3A_389] : memref<16xf32, #tpu.memory_space<vmem>>[vector<16xi32>], vector<16xf32>,
    %eq3A_391 = arith.constant -1.000000e+00 : f32
    %eq3A_392 = vector.broadcast %eq3A_391 : f32 to vector<16xf32>
    %eq3A_393 = arith.cmpf oeq, %gather3A_390, %eq3A_392 : vector<16xf32>
    %select_n3A_394 = arith.select %eq3A_393, %get3A_371, %gather3A_390 : vector<16xi1>, vector<16xf32>
    %swap3A_395 = arith.constant 224 : index
    %swap3A_396 = tpu.vector_load %arg7[%swap3A_395] {strides = array<i32>} : memref<512xf32, #tpu.memory_space<vmem>>, vector<16xf32>,
    tpu.vector_store %arg7[%swap3A_395], %select_n3A_394 {strides = array<i32>} : memref<512xf32, #tpu.memory_space<vmem>>, vector<16xf32>,
    %get3A_397 = arith.constant 240 : index
    %get3A_398 = tpu.vector_load %arg5[%get3A_397] {strides = array<i32>} : memref<512xf32, #tpu.memory_space<vmem>>, vector<16xf32>,
    %mul3A_399 = arith.constant 1.500000e+01 : f32
    %mul3A_400 = vector.broadcast %mul3A_399 : f32 to vector<16xf32>
    %mul3A_401 = arith.mulf %get3A_398, %mul3A_400 : vector<16xf32>
    %convert_element_type3A_402 = arith.fptosi %mul3A_401 : vector<16xf32> to vector<16xi32>
    %convert_element_type3A_403 = arith.sitofp %convert_element_type3A_402 : vector<16xi32> to vector<16xf32>
    %eq3A_404 = arith.cmpf oeq, %convert_element_type3A_403, %mul3A_401 : vector<16xf32>
    %jit3A_405 = arith.constant 1 : i32
    %jit3A_406 = arith.constant 0 : i32
    %broadcast_in_dim3A_407 = vector.broadcast %jit3A_405 : i32 to vector<16xi32>
    %broadcast_in_dim3A_408 = vector.broadcast %jit3A_406 : i32 to vector<16xi32>
    %select_n3A_409 = arith.select %eq3A_404, %broadcast_in_dim3A_407, %broadcast_in_dim3A_408 : vector<16xi1>, vector<16xi32>
    %sub3A_410 = arith.subi %convert_element_type3A_402, %select_n3A_409 : vector<16xi32>
    %max3A_411 = arith.constant 0 : i32
    %max3A_412 = vector.broadcast %max3A_411 : i32 to vector<16xi32>
    %max3A_413 = arith.maxsi %sub3A_410, %max3A_412 : vector<16xi32>
    %min3A_414 = arith.constant 14 : i32
    %min3A_415 = vector.broadcast %min3A_414 : i32 to vector<16xi32>
    %min3A_416 = arith.minsi %max3A_413, %min3A_415 : vector<16xi32>
    %gather3A_417 = tpu.vector_load_idx %arg6[%min3A_416] : memref<16xf32, #tpu.memory_space<vmem>>[vector<16xi32>], vector<16xf32>,
    %eq3A_418 = arith.constant -1.000000e+00 : f32
    %eq3A_419 = vector.broadcast %eq3A_418 : f32 to vector<16xf32>
    %eq3A_420 = arith.cmpf oeq, %gather3A_417, %eq3A_419 : vector<16xf32>
    %select_n3A_421 = arith.select %eq3A_420, %get3A_398, %gather3A_417 : vector<16xi1>, vector<16xf32>
    %swap3A_422 = arith.constant 240 : index
    %swap3A_423 = tpu.vector_load %arg7[%swap3A_422] {strides = array<i32>} : memref<512xf32, #tpu.memory_space<vmem>>, vector<16xf32>,
    tpu.vector_store %arg7[%swap3A_422], %select_n3A_421 {strides = array<i32>} : memref<512xf32, #tpu.memory_space<vmem>>, vector<16xf32>,
    %get3A_424 = arith.constant 256 : index
    %get3A_425 = tpu.vector_load %arg5[%get3A_424] {strides = array<i32>} : memref<512xf32, #tpu.memory_space<vmem>>, vector<16xf32>,
    %mul3A_426 = arith.constant 1.500000e+01 : f32
    %mul3A_427 = vector.broadcast %mul3A_426 : f32 to vector<16xf32>
    %mul3A_428 = arith.mulf %get3A_425, %mul3A_427 : vector<16xf32>
    %convert_element_type3A_429 = arith.fptosi %mul3A_428 : vector<16xf32> to vector<16xi32>
    %convert_element_type3A_430 = arith.sitofp %convert_element_type3A_429 : vector<16xi32> to vector<16xf32>
    %eq3A_431 = arith.cmpf oeq, %convert_element_type3A_430, %mul3A_428 : vector<16xf32>
    %jit3A_432 = arith.constant 1 : i32
    %jit3A_433 = arith.constant 0 : i32
    %broadcast_in_dim3A_434 = vector.broadcast %jit3A_432 : i32 to vector<16xi32>
    %broadcast_in_dim3A_435 = vector.broadcast %jit3A_433 : i32 to vector<16xi32>
    %select_n3A_436 = arith.select %eq3A_431, %broadcast_in_dim3A_434, %broadcast_in_dim3A_435 : vector<16xi1>, vector<16xi32>
    %sub3A_437 = arith.subi %convert_element_type3A_429, %select_n3A_436 : vector<16xi32>
    %max3A_438 = arith.constant 0 : i32
    %max3A_439 = vector.broadcast %max3A_438 : i32 to vector<16xi32>
    %max3A_440 = arith.maxsi %sub3A_437, %max3A_439 : vector<16xi32>
    %min3A_441 = arith.constant 14 : i32
    %min3A_442 = vector.broadcast %min3A_441 : i32 to vector<16xi32>
    %min3A_443 = arith.minsi %max3A_440, %min3A_442 : vector<16xi32>
    %gather3A_444 = tpu.vector_load_idx %arg6[%min3A_443] : memref<16xf32, #tpu.memory_space<vmem>>[vector<16xi32>], vector<16xf32>,
    %eq3A_445 = arith.constant -1.000000e+00 : f32
    %eq3A_446 = vector.broadcast %eq3A_445 : f32 to vector<16xf32>
    %eq3A_447 = arith.cmpf oeq, %gather3A_444, %eq3A_446 : vector<16xf32>
    %select_n3A_448 = arith.select %eq3A_447, %get3A_425, %gather3A_444 : vector<16xi1>, vector<16xf32>
    %swap3A_449 = arith.constant 256 : index
    %swap3A_450 = tpu.vector_load %arg7[%swap3A_449] {strides = array<i32>} : memref<512xf32, #tpu.memory_space<vmem>>, vector<16xf32>,
    tpu.vector_store %arg7[%swap3A_449], %select_n3A_448 {strides = array<i32>} : memref<512xf32, #tpu.memory_space<vmem>>, vector<16xf32>,
    %get3A_451 = arith.constant 272 : index
    %get3A_452 = tpu.vector_load %arg5[%get3A_451] {strides = array<i32>} : memref<512xf32, #tpu.memory_space<vmem>>, vector<16xf32>,
    %mul3A_453 = arith.constant 1.500000e+01 : f32
    %mul3A_454 = vector.broadcast %mul3A_453 : f32 to vector<16xf32>
    %mul3A_455 = arith.mulf %get3A_452, %mul3A_454 : vector<16xf32>
    %convert_element_type3A_456 = arith.fptosi %mul3A_455 : vector<16xf32> to vector<16xi32>
    %convert_element_type3A_457 = arith.sitofp %convert_element_type3A_456 : vector<16xi32> to vector<16xf32>
    %eq3A_458 = arith.cmpf oeq, %convert_element_type3A_457, %mul3A_455 : vector<16xf32>
    %jit3A_459 = arith.constant 1 : i32
    %jit3A_460 = arith.constant 0 : i32
    %broadcast_in_dim3A_461 = vector.broadcast %jit3A_459 : i32 to vector<16xi32>
    %broadcast_in_dim3A_462 = vector.broadcast %jit3A_460 : i32 to vector<16xi32>
    %select_n3A_463 = arith.select %eq3A_458, %broadcast_in_dim3A_461, %broadcast_in_dim3A_462 : vector<16xi1>, vector<16xi32>
    %sub3A_464 = arith.subi %convert_element_type3A_456, %select_n3A_463 : vector<16xi32>
    %max3A_465 = arith.constant 0 : i32
    %max3A_466 = vector.broadcast %max3A_465 : i32 to vector<16xi32>
    %max3A_467 = arith.maxsi %sub3A_464, %max3A_466 : vector<16xi32>
    %min3A_468 = arith.constant 14 : i32
    %min3A_469 = vector.broadcast %min3A_468 : i32 to vector<16xi32>
    %min3A_470 = arith.minsi %max3A_467, %min3A_469 : vector<16xi32>
    %gather3A_471 = tpu.vector_load_idx %arg6[%min3A_470] : memref<16xf32, #tpu.memory_space<vmem>>[vector<16xi32>], vector<16xf32>,
    %eq3A_472 = arith.constant -1.000000e+00 : f32
    %eq3A_473 = vector.broadcast %eq3A_472 : f32 to vector<16xf32>
    %eq3A_474 = arith.cmpf oeq, %gather3A_471, %eq3A_473 : vector<16xf32>
    %select_n3A_475 = arith.select %eq3A_474, %get3A_452, %gather3A_471 : vector<16xi1>, vector<16xf32>
    %swap3A_476 = arith.constant 272 : index
    %swap3A_477 = tpu.vector_load %arg7[%swap3A_476] {strides = array<i32>} : memref<512xf32, #tpu.memory_space<vmem>>, vector<16xf32>,
    tpu.vector_store %arg7[%swap3A_476], %select_n3A_475 {strides = array<i32>} : memref<512xf32, #tpu.memory_space<vmem>>, vector<16xf32>,
    %get3A_478 = arith.constant 288 : index
    %get3A_479 = tpu.vector_load %arg5[%get3A_478] {strides = array<i32>} : memref<512xf32, #tpu.memory_space<vmem>>, vector<16xf32>,
    %mul3A_480 = arith.constant 1.500000e+01 : f32
    %mul3A_481 = vector.broadcast %mul3A_480 : f32 to vector<16xf32>
    %mul3A_482 = arith.mulf %get3A_479, %mul3A_481 : vector<16xf32>
    %convert_element_type3A_483 = arith.fptosi %mul3A_482 : vector<16xf32> to vector<16xi32>
    %convert_element_type3A_484 = arith.sitofp %convert_element_type3A_483 : vector<16xi32> to vector<16xf32>
    %eq3A_485 = arith.cmpf oeq, %convert_element_type3A_484, %mul3A_482 : vector<16xf32>
    %jit3A_486 = arith.constant 1 : i32
    %jit3A_487 = arith.constant 0 : i32
    %broadcast_in_dim3A_488 = vector.broadcast %jit3A_486 : i32 to vector<16xi32>
    %broadcast_in_dim3A_489 = vector.broadcast %jit3A_487 : i32 to vector<16xi32>
    %select_n3A_490 = arith.select %eq3A_485, %broadcast_in_dim3A_488, %broadcast_in_dim3A_489 : vector<16xi1>, vector<16xi32>
    %sub3A_491 = arith.subi %convert_element_type3A_483, %select_n3A_490 : vector<16xi32>
    %max3A_492 = arith.constant 0 : i32
    %max3A_493 = vector.broadcast %max3A_492 : i32 to vector<16xi32>
    %max3A_494 = arith.maxsi %sub3A_491, %max3A_493 : vector<16xi32>
    %min3A_495 = arith.constant 14 : i32
    %min3A_496 = vector.broadcast %min3A_495 : i32 to vector<16xi32>
    %min3A_497 = arith.minsi %max3A_494, %min3A_496 : vector<16xi32>
    %gather3A_498 = tpu.vector_load_idx %arg6[%min3A_497] : memref<16xf32, #tpu.memory_space<vmem>>[vector<16xi32>], vector<16xf32>,
    %eq3A_499 = arith.constant -1.000000e+00 : f32
    %eq3A_500 = vector.broadcast %eq3A_499 : f32 to vector<16xf32>
    %eq3A_501 = arith.cmpf oeq, %gather3A_498, %eq3A_500 : vector<16xf32>
    %select_n3A_502 = arith.select %eq3A_501, %get3A_479, %gather3A_498 : vector<16xi1>, vector<16xf32>
    %swap3A_503 = arith.constant 288 : index
    %swap3A_504 = tpu.vector_load %arg7[%swap3A_503] {strides = array<i32>} : memref<512xf32, #tpu.memory_space<vmem>>, vector<16xf32>,
    tpu.vector_store %arg7[%swap3A_503], %select_n3A_502 {strides = array<i32>} : memref<512xf32, #tpu.memory_space<vmem>>, vector<16xf32>,
    %get3A_505 = arith.constant 304 : index
    %get3A_506 = tpu.vector_load %arg5[%get3A_505] {strides = array<i32>} : memref<512xf32, #tpu.memory_space<vmem>>, vector<16xf32>,
    %mul3A_507 = arith.constant 1.500000e+01 : f32
    %mul3A_508 = vector.broadcast %mul3A_507 : f32 to vector<16xf32>
    %mul3A_509 = arith.mulf %get3A_506, %mul3A_508 : vector<16xf32>
    %convert_element_type3A_510 = arith.fptosi %mul3A_509 : vector<16xf32> to vector<16xi32>
    %convert_element_type3A_511 = arith.sitofp %convert_element_type3A_510 : vector<16xi32> to vector<16xf32>
    %eq3A_512 = arith.cmpf oeq, %convert_element_type3A_511, %mul3A_509 : vector<16xf32>
    %jit3A_513 = arith.constant 1 : i32
    %jit3A_514 = arith.constant 0 : i32
    %broadcast_in_dim3A_515 = vector.broadcast %jit3A_513 : i32 to vector<16xi32>
    %broadcast_in_dim3A_516 = vector.broadcast %jit3A_514 : i32 to vector<16xi32>
    %select_n3A_517 = arith.select %eq3A_512, %broadcast_in_dim3A_515, %broadcast_in_dim3A_516 : vector<16xi1>, vector<16xi32>
    %sub3A_518 = arith.subi %convert_element_type3A_510, %select_n3A_517 : vector<16xi32>
    %max3A_519 = arith.constant 0 : i32
    %max3A_520 = vector.broadcast %max3A_519 : i32 to vector<16xi32>
    %max3A_521 = arith.maxsi %sub3A_518, %max3A_520 : vector<16xi32>
    %min3A_522 = arith.constant 14 : i32
    %min3A_523 = vector.broadcast %min3A_522 : i32 to vector<16xi32>
    %min3A_524 = arith.minsi %max3A_521, %min3A_523 : vector<16xi32>
    %gather3A_525 = tpu.vector_load_idx %arg6[%min3A_524] : memref<16xf32, #tpu.memory_space<vmem>>[vector<16xi32>], vector<16xf32>,
    %eq3A_526 = arith.constant -1.000000e+00 : f32
    %eq3A_527 = vector.broadcast %eq3A_526 : f32 to vector<16xf32>
    %eq3A_528 = arith.cmpf oeq, %gather3A_525, %eq3A_527 : vector<16xf32>
    %select_n3A_529 = arith.select %eq3A_528, %get3A_506, %gather3A_525 : vector<16xi1>, vector<16xf32>
    %swap3A_530 = arith.constant 304 : index
    %swap3A_531 = tpu.vector_load %arg7[%swap3A_530] {strides = array<i32>} : memref<512xf32, #tpu.memory_space<vmem>>, vector<16xf32>,
    tpu.vector_store %arg7[%swap3A_530], %select_n3A_529 {strides = array<i32>} : memref<512xf32, #tpu.memory_space<vmem>>, vector<16xf32>,
    %get3A_532 = arith.constant 320 : index
    %get3A_533 = tpu.vector_load %arg5[%get3A_532] {strides = array<i32>} : memref<512xf32, #tpu.memory_space<vmem>>, vector<16xf32>,
    %mul3A_534 = arith.constant 1.500000e+01 : f32
    %mul3A_535 = vector.broadcast %mul3A_534 : f32 to vector<16xf32>
    %mul3A_536 = arith.mulf %get3A_533, %mul3A_535 : vector<16xf32>
    %convert_element_type3A_537 = arith.fptosi %mul3A_536 : vector<16xf32> to vector<16xi32>
    %convert_element_type3A_538 = arith.sitofp %convert_element_type3A_537 : vector<16xi32> to vector<16xf32>
    %eq3A_539 = arith.cmpf oeq, %convert_element_type3A_538, %mul3A_536 : vector<16xf32>
    %jit3A_540 = arith.constant 1 : i32
    %jit3A_541 = arith.constant 0 : i32
    %broadcast_in_dim3A_542 = vector.broadcast %jit3A_540 : i32 to vector<16xi32>
    %broadcast_in_dim3A_543 = vector.broadcast %jit3A_541 : i32 to vector<16xi32>
    %select_n3A_544 = arith.select %eq3A_539, %broadcast_in_dim3A_542, %broadcast_in_dim3A_543 : vector<16xi1>, vector<16xi32>
    %sub3A_545 = arith.subi %convert_element_type3A_537, %select_n3A_544 : vector<16xi32>
    %max3A_546 = arith.constant 0 : i32
    %max3A_547 = vector.broadcast %max3A_546 : i32 to vector<16xi32>
    %max3A_548 = arith.maxsi %sub3A_545, %max3A_547 : vector<16xi32>
    %min3A_549 = arith.constant 14 : i32
    %min3A_550 = vector.broadcast %min3A_549 : i32 to vector<16xi32>
    %min3A_551 = arith.minsi %max3A_548, %min3A_550 : vector<16xi32>
    %gather3A_552 = tpu.vector_load_idx %arg6[%min3A_551] : memref<16xf32, #tpu.memory_space<vmem>>[vector<16xi32>], vector<16xf32>,
    %eq3A_553 = arith.constant -1.000000e+00 : f32
    %eq3A_554 = vector.broadcast %eq3A_553 : f32 to vector<16xf32>
    %eq3A_555 = arith.cmpf oeq, %gather3A_552, %eq3A_554 : vector<16xf32>
    %select_n3A_556 = arith.select %eq3A_555, %get3A_533, %gather3A_552 : vector<16xi1>, vector<16xf32>
    %swap3A_557 = arith.constant 320 : index
    %swap3A_558 = tpu.vector_load %arg7[%swap3A_557] {strides = array<i32>} : memref<512xf32, #tpu.memory_space<vmem>>, vector<16xf32>,
    tpu.vector_store %arg7[%swap3A_557], %select_n3A_556 {strides = array<i32>} : memref<512xf32, #tpu.memory_space<vmem>>, vector<16xf32>,
    %get3A_559 = arith.constant 336 : index
    %get3A_560 = tpu.vector_load %arg5[%get3A_559] {strides = array<i32>} : memref<512xf32, #tpu.memory_space<vmem>>, vector<16xf32>,
    %mul3A_561 = arith.constant 1.500000e+01 : f32
    %mul3A_562 = vector.broadcast %mul3A_561 : f32 to vector<16xf32>
    %mul3A_563 = arith.mulf %get3A_560, %mul3A_562 : vector<16xf32>
    %convert_element_type3A_564 = arith.fptosi %mul3A_563 : vector<16xf32> to vector<16xi32>
    %convert_element_type3A_565 = arith.sitofp %convert_element_type3A_564 : vector<16xi32> to vector<16xf32>
    %eq3A_566 = arith.cmpf oeq, %convert_element_type3A_565, %mul3A_563 : vector<16xf32>
    %jit3A_567 = arith.constant 1 : i32
    %jit3A_568 = arith.constant 0 : i32
    %broadcast_in_dim3A_569 = vector.broadcast %jit3A_567 : i32 to vector<16xi32>
    %broadcast_in_dim3A_570 = vector.broadcast %jit3A_568 : i32 to vector<16xi32>
    %select_n3A_571 = arith.select %eq3A_566, %broadcast_in_dim3A_569, %broadcast_in_dim3A_570 : vector<16xi1>, vector<16xi32>
    %sub3A_572 = arith.subi %convert_element_type3A_564, %select_n3A_571 : vector<16xi32>
    %max3A_573 = arith.constant 0 : i32
    %max3A_574 = vector.broadcast %max3A_573 : i32 to vector<16xi32>
    %max3A_575 = arith.maxsi %sub3A_572, %max3A_574 : vector<16xi32>
    %min3A_576 = arith.constant 14 : i32
    %min3A_577 = vector.broadcast %min3A_576 : i32 to vector<16xi32>
    %min3A_578 = arith.minsi %max3A_575, %min3A_577 : vector<16xi32>
    %gather3A_579 = tpu.vector_load_idx %arg6[%min3A_578] : memref<16xf32, #tpu.memory_space<vmem>>[vector<16xi32>], vector<16xf32>,
    %eq3A_580 = arith.constant -1.000000e+00 : f32
    %eq3A_581 = vector.broadcast %eq3A_580 : f32 to vector<16xf32>
    %eq3A_582 = arith.cmpf oeq, %gather3A_579, %eq3A_581 : vector<16xf32>
    %select_n3A_583 = arith.select %eq3A_582, %get3A_560, %gather3A_579 : vector<16xi1>, vector<16xf32>
    %swap3A_584 = arith.constant 336 : index
    %swap3A_585 = tpu.vector_load %arg7[%swap3A_584] {strides = array<i32>} : memref<512xf32, #tpu.memory_space<vmem>>, vector<16xf32>,
    tpu.vector_store %arg7[%swap3A_584], %select_n3A_583 {strides = array<i32>} : memref<512xf32, #tpu.memory_space<vmem>>, vector<16xf32>,
    %get3A_586 = arith.constant 352 : index
    %get3A_587 = tpu.vector_load %arg5[%get3A_586] {strides = array<i32>} : memref<512xf32, #tpu.memory_space<vmem>>, vector<16xf32>,
    %mul3A_588 = arith.constant 1.500000e+01 : f32
    %mul3A_589 = vector.broadcast %mul3A_588 : f32 to vector<16xf32>
    %mul3A_590 = arith.mulf %get3A_587, %mul3A_589 : vector<16xf32>
    %convert_element_type3A_591 = arith.fptosi %mul3A_590 : vector<16xf32> to vector<16xi32>
    %convert_element_type3A_592 = arith.sitofp %convert_element_type3A_591 : vector<16xi32> to vector<16xf32>
    %eq3A_593 = arith.cmpf oeq, %convert_element_type3A_592, %mul3A_590 : vector<16xf32>
    %jit3A_594 = arith.constant 1 : i32
    %jit3A_595 = arith.constant 0 : i32
    %broadcast_in_dim3A_596 = vector.broadcast %jit3A_594 : i32 to vector<16xi32>
    %broadcast_in_dim3A_597 = vector.broadcast %jit3A_595 : i32 to vector<16xi32>
    %select_n3A_598 = arith.select %eq3A_593, %broadcast_in_dim3A_596, %broadcast_in_dim3A_597 : vector<16xi1>, vector<16xi32>
    %sub3A_599 = arith.subi %convert_element_type3A_591, %select_n3A_598 : vector<16xi32>
    %max3A_600 = arith.constant 0 : i32
    %max3A_601 = vector.broadcast %max3A_600 : i32 to vector<16xi32>
    %max3A_602 = arith.maxsi %sub3A_599, %max3A_601 : vector<16xi32>
    %min3A_603 = arith.constant 14 : i32
    %min3A_604 = vector.broadcast %min3A_603 : i32 to vector<16xi32>
    %min3A_605 = arith.minsi %max3A_602, %min3A_604 : vector<16xi32>
    %gather3A_606 = tpu.vector_load_idx %arg6[%min3A_605] : memref<16xf32, #tpu.memory_space<vmem>>[vector<16xi32>], vector<16xf32>,
    %eq3A_607 = arith.constant -1.000000e+00 : f32
    %eq3A_608 = vector.broadcast %eq3A_607 : f32 to vector<16xf32>
    %eq3A_609 = arith.cmpf oeq, %gather3A_606, %eq3A_608 : vector<16xf32>
    %select_n3A_610 = arith.select %eq3A_609, %get3A_587, %gather3A_606 : vector<16xi1>, vector<16xf32>
    %swap3A_611 = arith.constant 352 : index
    %swap3A_612 = tpu.vector_load %arg7[%swap3A_611] {strides = array<i32>} : memref<512xf32, #tpu.memory_space<vmem>>, vector<16xf32>,
    tpu.vector_store %arg7[%swap3A_611], %select_n3A_610 {strides = array<i32>} : memref<512xf32, #tpu.memory_space<vmem>>, vector<16xf32>,
    %get3A_613 = arith.constant 368 : index
    %get3A_614 = tpu.vector_load %arg5[%get3A_613] {strides = array<i32>} : memref<512xf32, #tpu.memory_space<vmem>>, vector<16xf32>,
    %mul3A_615 = arith.constant 1.500000e+01 : f32
    %mul3A_616 = vector.broadcast %mul3A_615 : f32 to vector<16xf32>
    %mul3A_617 = arith.mulf %get3A_614, %mul3A_616 : vector<16xf32>
    %convert_element_type3A_618 = arith.fptosi %mul3A_617 : vector<16xf32> to vector<16xi32>
    %convert_element_type3A_619 = arith.sitofp %convert_element_type3A_618 : vector<16xi32> to vector<16xf32>
    %eq3A_620 = arith.cmpf oeq, %convert_element_type3A_619, %mul3A_617 : vector<16xf32>
    %jit3A_621 = arith.constant 1 : i32
    %jit3A_622 = arith.constant 0 : i32
    %broadcast_in_dim3A_623 = vector.broadcast %jit3A_621 : i32 to vector<16xi32>
    %broadcast_in_dim3A_624 = vector.broadcast %jit3A_622 : i32 to vector<16xi32>
    %select_n3A_625 = arith.select %eq3A_620, %broadcast_in_dim3A_623, %broadcast_in_dim3A_624 : vector<16xi1>, vector<16xi32>
    %sub3A_626 = arith.subi %convert_element_type3A_618, %select_n3A_625 : vector<16xi32>
    %max3A_627 = arith.constant 0 : i32
    %max3A_628 = vector.broadcast %max3A_627 : i32 to vector<16xi32>
    %max3A_629 = arith.maxsi %sub3A_626, %max3A_628 : vector<16xi32>
    %min3A_630 = arith.constant 14 : i32
    %min3A_631 = vector.broadcast %min3A_630 : i32 to vector<16xi32>
    %min3A_632 = arith.minsi %max3A_629, %min3A_631 : vector<16xi32>
    %gather3A_633 = tpu.vector_load_idx %arg6[%min3A_632] : memref<16xf32, #tpu.memory_space<vmem>>[vector<16xi32>], vector<16xf32>,
    %eq3A_634 = arith.constant -1.000000e+00 : f32
    %eq3A_635 = vector.broadcast %eq3A_634 : f32 to vector<16xf32>
    %eq3A_636 = arith.cmpf oeq, %gather3A_633, %eq3A_635 : vector<16xf32>
    %select_n3A_637 = arith.select %eq3A_636, %get3A_614, %gather3A_633 : vector<16xi1>, vector<16xf32>
    %swap3A_638 = arith.constant 368 : index
    %swap3A_639 = tpu.vector_load %arg7[%swap3A_638] {strides = array<i32>} : memref<512xf32, #tpu.memory_space<vmem>>, vector<16xf32>,
    tpu.vector_store %arg7[%swap3A_638], %select_n3A_637 {strides = array<i32>} : memref<512xf32, #tpu.memory_space<vmem>>, vector<16xf32>,
    %get3A_640 = arith.constant 384 : index
    %get3A_641 = tpu.vector_load %arg5[%get3A_640] {strides = array<i32>} : memref<512xf32, #tpu.memory_space<vmem>>, vector<16xf32>,
    %mul3A_642 = arith.constant 1.500000e+01 : f32
    %mul3A_643 = vector.broadcast %mul3A_642 : f32 to vector<16xf32>
    %mul3A_644 = arith.mulf %get3A_641, %mul3A_643 : vector<16xf32>
    %convert_element_type3A_645 = arith.fptosi %mul3A_644 : vector<16xf32> to vector<16xi32>
    %convert_element_type3A_646 = arith.sitofp %convert_element_type3A_645 : vector<16xi32> to vector<16xf32>
    %eq3A_647 = arith.cmpf oeq, %convert_element_type3A_646, %mul3A_644 : vector<16xf32>
    %jit3A_648 = arith.constant 1 : i32
    %jit3A_649 = arith.constant 0 : i32
    %broadcast_in_dim3A_650 = vector.broadcast %jit3A_648 : i32 to vector<16xi32>
    %broadcast_in_dim3A_651 = vector.broadcast %jit3A_649 : i32 to vector<16xi32>
    %select_n3A_652 = arith.select %eq3A_647, %broadcast_in_dim3A_650, %broadcast_in_dim3A_651 : vector<16xi1>, vector<16xi32>
    %sub3A_653 = arith.subi %convert_element_type3A_645, %select_n3A_652 : vector<16xi32>
    %max3A_654 = arith.constant 0 : i32
    %max3A_655 = vector.broadcast %max3A_654 : i32 to vector<16xi32>
    %max3A_656 = arith.maxsi %sub3A_653, %max3A_655 : vector<16xi32>
    %min3A_657 = arith.constant 14 : i32
    %min3A_658 = vector.broadcast %min3A_657 : i32 to vector<16xi32>
    %min3A_659 = arith.minsi %max3A_656, %min3A_658 : vector<16xi32>
    %gather3A_660 = tpu.vector_load_idx %arg6[%min3A_659] : memref<16xf32, #tpu.memory_space<vmem>>[vector<16xi32>], vector<16xf32>,
    %eq3A_661 = arith.constant -1.000000e+00 : f32
    %eq3A_662 = vector.broadcast %eq3A_661 : f32 to vector<16xf32>
    %eq3A_663 = arith.cmpf oeq, %gather3A_660, %eq3A_662 : vector<16xf32>
    %select_n3A_664 = arith.select %eq3A_663, %get3A_641, %gather3A_660 : vector<16xi1>, vector<16xf32>
    %swap3A_665 = arith.constant 384 : index
    %swap3A_666 = tpu.vector_load %arg7[%swap3A_665] {strides = array<i32>} : memref<512xf32, #tpu.memory_space<vmem>>, vector<16xf32>,
    tpu.vector_store %arg7[%swap3A_665], %select_n3A_664 {strides = array<i32>} : memref<512xf32, #tpu.memory_space<vmem>>, vector<16xf32>,
    %get3A_667 = arith.constant 400 : index
    %get3A_668 = tpu.vector_load %arg5[%get3A_667] {strides = array<i32>} : memref<512xf32, #tpu.memory_space<vmem>>, vector<16xf32>,
    %mul3A_669 = arith.constant 1.500000e+01 : f32
    %mul3A_670 = vector.broadcast %mul3A_669 : f32 to vector<16xf32>
    %mul3A_671 = arith.mulf %get3A_668, %mul3A_670 : vector<16xf32>
    %convert_element_type3A_672 = arith.fptosi %mul3A_671 : vector<16xf32> to vector<16xi32>
    %convert_element_type3A_673 = arith.sitofp %convert_element_type3A_672 : vector<16xi32> to vector<16xf32>
    %eq3A_674 = arith.cmpf oeq, %convert_element_type3A_673, %mul3A_671 : vector<16xf32>
    %jit3A_675 = arith.constant 1 : i32
    %jit3A_676 = arith.constant 0 : i32
    %broadcast_in_dim3A_677 = vector.broadcast %jit3A_675 : i32 to vector<16xi32>
    %broadcast_in_dim3A_678 = vector.broadcast %jit3A_676 : i32 to vector<16xi32>
    %select_n3A_679 = arith.select %eq3A_674, %broadcast_in_dim3A_677, %broadcast_in_dim3A_678 : vector<16xi1>, vector<16xi32>
    %sub3A_680 = arith.subi %convert_element_type3A_672, %select_n3A_679 : vector<16xi32>
    %max3A_681 = arith.constant 0 : i32
    %max3A_682 = vector.broadcast %max3A_681 : i32 to vector<16xi32>
    %max3A_683 = arith.maxsi %sub3A_680, %max3A_682 : vector<16xi32>
    %min3A_684 = arith.constant 14 : i32
    %min3A_685 = vector.broadcast %min3A_684 : i32 to vector<16xi32>
    %min3A_686 = arith.minsi %max3A_683, %min3A_685 : vector<16xi32>
    %gather3A_687 = tpu.vector_load_idx %arg6[%min3A_686] : memref<16xf32, #tpu.memory_space<vmem>>[vector<16xi32>], vector<16xf32>,
    %eq3A_688 = arith.constant -1.000000e+00 : f32
    %eq3A_689 = vector.broadcast %eq3A_688 : f32 to vector<16xf32>
    %eq3A_690 = arith.cmpf oeq, %gather3A_687, %eq3A_689 : vector<16xf32>
    %select_n3A_691 = arith.select %eq3A_690, %get3A_668, %gather3A_687 : vector<16xi1>, vector<16xf32>
    %swap3A_692 = arith.constant 400 : index
    %swap3A_693 = tpu.vector_load %arg7[%swap3A_692] {strides = array<i32>} : memref<512xf32, #tpu.memory_space<vmem>>, vector<16xf32>,
    tpu.vector_store %arg7[%swap3A_692], %select_n3A_691 {strides = array<i32>} : memref<512xf32, #tpu.memory_space<vmem>>, vector<16xf32>,
    %get3A_694 = arith.constant 416 : index
    %get3A_695 = tpu.vector_load %arg5[%get3A_694] {strides = array<i32>} : memref<512xf32, #tpu.memory_space<vmem>>, vector<16xf32>,
    %mul3A_696 = arith.constant 1.500000e+01 : f32
    %mul3A_697 = vector.broadcast %mul3A_696 : f32 to vector<16xf32>
    %mul3A_698 = arith.mulf %get3A_695, %mul3A_697 : vector<16xf32>
    %convert_element_type3A_699 = arith.fptosi %mul3A_698 : vector<16xf32> to vector<16xi32>
    %convert_element_type3A_700 = arith.sitofp %convert_element_type3A_699 : vector<16xi32> to vector<16xf32>
    %eq3A_701 = arith.cmpf oeq, %convert_element_type3A_700, %mul3A_698 : vector<16xf32>
    %jit3A_702 = arith.constant 1 : i32
    %jit3A_703 = arith.constant 0 : i32
    %broadcast_in_dim3A_704 = vector.broadcast %jit3A_702 : i32 to vector<16xi32>
    %broadcast_in_dim3A_705 = vector.broadcast %jit3A_703 : i32 to vector<16xi32>
    %select_n3A_706 = arith.select %eq3A_701, %broadcast_in_dim3A_704, %broadcast_in_dim3A_705 : vector<16xi1>, vector<16xi32>
    %sub3A_707 = arith.subi %convert_element_type3A_699, %select_n3A_706 : vector<16xi32>
    %max3A_708 = arith.constant 0 : i32
    %max3A_709 = vector.broadcast %max3A_708 : i32 to vector<16xi32>
    %max3A_710 = arith.maxsi %sub3A_707, %max3A_709 : vector<16xi32>
    %min3A_711 = arith.constant 14 : i32
    %min3A_712 = vector.broadcast %min3A_711 : i32 to vector<16xi32>
    %min3A_713 = arith.minsi %max3A_710, %min3A_712 : vector<16xi32>
    %gather3A_714 = tpu.vector_load_idx %arg6[%min3A_713] : memref<16xf32, #tpu.memory_space<vmem>>[vector<16xi32>], vector<16xf32>,
    %eq3A_715 = arith.constant -1.000000e+00 : f32
    %eq3A_716 = vector.broadcast %eq3A_715 : f32 to vector<16xf32>
    %eq3A_717 = arith.cmpf oeq, %gather3A_714, %eq3A_716 : vector<16xf32>
    %select_n3A_718 = arith.select %eq3A_717, %get3A_695, %gather3A_714 : vector<16xi1>, vector<16xf32>
    %swap3A_719 = arith.constant 416 : index
    %swap3A_720 = tpu.vector_load %arg7[%swap3A_719] {strides = array<i32>} : memref<512xf32, #tpu.memory_space<vmem>>, vector<16xf32>,
    tpu.vector_store %arg7[%swap3A_719], %select_n3A_718 {strides = array<i32>} : memref<512xf32, #tpu.memory_space<vmem>>, vector<16xf32>,
    %get3A_721 = arith.constant 432 : index
    %get3A_722 = tpu.vector_load %arg5[%get3A_721] {strides = array<i32>} : memref<512xf32, #tpu.memory_space<vmem>>, vector<16xf32>,
    %mul3A_723 = arith.constant 1.500000e+01 : f32
    %mul3A_724 = vector.broadcast %mul3A_723 : f32 to vector<16xf32>
    %mul3A_725 = arith.mulf %get3A_722, %mul3A_724 : vector<16xf32>
    %convert_element_type3A_726 = arith.fptosi %mul3A_725 : vector<16xf32> to vector<16xi32>
    %convert_element_type3A_727 = arith.sitofp %convert_element_type3A_726 : vector<16xi32> to vector<16xf32>
    %eq3A_728 = arith.cmpf oeq, %convert_element_type3A_727, %mul3A_725 : vector<16xf32>
    %jit3A_729 = arith.constant 1 : i32
    %jit3A_730 = arith.constant 0 : i32
    %broadcast_in_dim3A_731 = vector.broadcast %jit3A_729 : i32 to vector<16xi32>
    %broadcast_in_dim3A_732 = vector.broadcast %jit3A_730 : i32 to vector<16xi32>
    %select_n3A_733 = arith.select %eq3A_728, %broadcast_in_dim3A_731, %broadcast_in_dim3A_732 : vector<16xi1>, vector<16xi32>
    %sub3A_734 = arith.subi %convert_element_type3A_726, %select_n3A_733 : vector<16xi32>
    %max3A_735 = arith.constant 0 : i32
    %max3A_736 = vector.broadcast %max3A_735 : i32 to vector<16xi32>
    %max3A_737 = arith.maxsi %sub3A_734, %max3A_736 : vector<16xi32>
    %min3A_738 = arith.constant 14 : i32
    %min3A_739 = vector.broadcast %min3A_738 : i32 to vector<16xi32>
    %min3A_740 = arith.minsi %max3A_737, %min3A_739 : vector<16xi32>
    %gather3A_741 = tpu.vector_load_idx %arg6[%min3A_740] : memref<16xf32, #tpu.memory_space<vmem>>[vector<16xi32>], vector<16xf32>,
    %eq3A_742 = arith.constant -1.000000e+00 : f32
    %eq3A_743 = vector.broadcast %eq3A_742 : f32 to vector<16xf32>
    %eq3A_744 = arith.cmpf oeq, %gather3A_741, %eq3A_743 : vector<16xf32>
    %select_n3A_745 = arith.select %eq3A_744, %get3A_722, %gather3A_741 : vector<16xi1>, vector<16xf32>
    %swap3A_746 = arith.constant 432 : index
    %swap3A_747 = tpu.vector_load %arg7[%swap3A_746] {strides = array<i32>} : memref<512xf32, #tpu.memory_space<vmem>>, vector<16xf32>,
    tpu.vector_store %arg7[%swap3A_746], %select_n3A_745 {strides = array<i32>} : memref<512xf32, #tpu.memory_space<vmem>>, vector<16xf32>,
    %get3A_748 = arith.constant 448 : index
    %get3A_749 = tpu.vector_load %arg5[%get3A_748] {strides = array<i32>} : memref<512xf32, #tpu.memory_space<vmem>>, vector<16xf32>,
    %mul3A_750 = arith.constant 1.500000e+01 : f32
    %mul3A_751 = vector.broadcast %mul3A_750 : f32 to vector<16xf32>
    %mul3A_752 = arith.mulf %get3A_749, %mul3A_751 : vector<16xf32>
    %convert_element_type3A_753 = arith.fptosi %mul3A_752 : vector<16xf32> to vector<16xi32>
    %convert_element_type3A_754 = arith.sitofp %convert_element_type3A_753 : vector<16xi32> to vector<16xf32>
    %eq3A_755 = arith.cmpf oeq, %convert_element_type3A_754, %mul3A_752 : vector<16xf32>
    %jit3A_756 = arith.constant 1 : i32
    %jit3A_757 = arith.constant 0 : i32
    %broadcast_in_dim3A_758 = vector.broadcast %jit3A_756 : i32 to vector<16xi32>
    %broadcast_in_dim3A_759 = vector.broadcast %jit3A_757 : i32 to vector<16xi32>
    %select_n3A_760 = arith.select %eq3A_755, %broadcast_in_dim3A_758, %broadcast_in_dim3A_759 : vector<16xi1>, vector<16xi32>
    %sub3A_761 = arith.subi %convert_element_type3A_753, %select_n3A_760 : vector<16xi32>
    %max3A_762 = arith.constant 0 : i32
    %max3A_763 = vector.broadcast %max3A_762 : i32 to vector<16xi32>
    %max3A_764 = arith.maxsi %sub3A_761, %max3A_763 : vector<16xi32>
    %min3A_765 = arith.constant 14 : i32
    %min3A_766 = vector.broadcast %min3A_765 : i32 to vector<16xi32>
    %min3A_767 = arith.minsi %max3A_764, %min3A_766 : vector<16xi32>
    %gather3A_768 = tpu.vector_load_idx %arg6[%min3A_767] : memref<16xf32, #tpu.memory_space<vmem>>[vector<16xi32>], vector<16xf32>,
    %eq3A_769 = arith.constant -1.000000e+00 : f32
    %eq3A_770 = vector.broadcast %eq3A_769 : f32 to vector<16xf32>
    %eq3A_771 = arith.cmpf oeq, %gather3A_768, %eq3A_770 : vector<16xf32>
    %select_n3A_772 = arith.select %eq3A_771, %get3A_749, %gather3A_768 : vector<16xi1>, vector<16xf32>
    %swap3A_773 = arith.constant 448 : index
    %swap3A_774 = tpu.vector_load %arg7[%swap3A_773] {strides = array<i32>} : memref<512xf32, #tpu.memory_space<vmem>>, vector<16xf32>,
    tpu.vector_store %arg7[%swap3A_773], %select_n3A_772 {strides = array<i32>} : memref<512xf32, #tpu.memory_space<vmem>>, vector<16xf32>,
    %get3A_775 = arith.constant 464 : index
    %get3A_776 = tpu.vector_load %arg5[%get3A_775] {strides = array<i32>} : memref<512xf32, #tpu.memory_space<vmem>>, vector<16xf32>,
    %mul3A_777 = arith.constant 1.500000e+01 : f32
    %mul3A_778 = vector.broadcast %mul3A_777 : f32 to vector<16xf32>
    %mul3A_779 = arith.mulf %get3A_776, %mul3A_778 : vector<16xf32>
    %convert_element_type3A_780 = arith.fptosi %mul3A_779 : vector<16xf32> to vector<16xi32>
    %convert_element_type3A_781 = arith.sitofp %convert_element_type3A_780 : vector<16xi32> to vector<16xf32>
    %eq3A_782 = arith.cmpf oeq, %convert_element_type3A_781, %mul3A_779 : vector<16xf32>
    %jit3A_783 = arith.constant 1 : i32
    %jit3A_784 = arith.constant 0 : i32
    %broadcast_in_dim3A_785 = vector.broadcast %jit3A_783 : i32 to vector<16xi32>
    %broadcast_in_dim3A_786 = vector.broadcast %jit3A_784 : i32 to vector<16xi32>
    %select_n3A_787 = arith.select %eq3A_782, %broadcast_in_dim3A_785, %broadcast_in_dim3A_786 : vector<16xi1>, vector<16xi32>
    %sub3A_788 = arith.subi %convert_element_type3A_780, %select_n3A_787 : vector<16xi32>
    %max3A_789 = arith.constant 0 : i32
    %max3A_790 = vector.broadcast %max3A_789 : i32 to vector<16xi32>
    %max3A_791 = arith.maxsi %sub3A_788, %max3A_790 : vector<16xi32>
    %min3A_792 = arith.constant 14 : i32
    %min3A_793 = vector.broadcast %min3A_792 : i32 to vector<16xi32>
    %min3A_794 = arith.minsi %max3A_791, %min3A_793 : vector<16xi32>
    %gather3A_795 = tpu.vector_load_idx %arg6[%min3A_794] : memref<16xf32, #tpu.memory_space<vmem>>[vector<16xi32>], vector<16xf32>,
    %eq3A_796 = arith.constant -1.000000e+00 : f32
    %eq3A_797 = vector.broadcast %eq3A_796 : f32 to vector<16xf32>
    %eq3A_798 = arith.cmpf oeq, %gather3A_795, %eq3A_797 : vector<16xf32>
    %select_n3A_799 = arith.select %eq3A_798, %get3A_776, %gather3A_795 : vector<16xi1>, vector<16xf32>
    %swap3A_800 = arith.constant 464 : index
    %swap3A_801 = tpu.vector_load %arg7[%swap3A_800] {strides = array<i32>} : memref<512xf32, #tpu.memory_space<vmem>>, vector<16xf32>,
    tpu.vector_store %arg7[%swap3A_800], %select_n3A_799 {strides = array<i32>} : memref<512xf32, #tpu.memory_space<vmem>>, vector<16xf32>,
    %get3A_802 = arith.constant 480 : index
    %get3A_803 = tpu.vector_load %arg5[%get3A_802] {strides = array<i32>} : memref<512xf32, #tpu.memory_space<vmem>>, vector<16xf32>,
    %mul3A_804 = arith.constant 1.500000e+01 : f32
    %mul3A_805 = vector.broadcast %mul3A_804 : f32 to vector<16xf32>
    %mul3A_806 = arith.mulf %get3A_803, %mul3A_805 : vector<16xf32>
    %convert_element_type3A_807 = arith.fptosi %mul3A_806 : vector<16xf32> to vector<16xi32>
    %convert_element_type3A_808 = arith.sitofp %convert_element_type3A_807 : vector<16xi32> to vector<16xf32>
    %eq3A_809 = arith.cmpf oeq, %convert_element_type3A_808, %mul3A_806 : vector<16xf32>
    %jit3A_810 = arith.constant 1 : i32
    %jit3A_811 = arith.constant 0 : i32
    %broadcast_in_dim3A_812 = vector.broadcast %jit3A_810 : i32 to vector<16xi32>
    %broadcast_in_dim3A_813 = vector.broadcast %jit3A_811 : i32 to vector<16xi32>
    %select_n3A_814 = arith.select %eq3A_809, %broadcast_in_dim3A_812, %broadcast_in_dim3A_813 : vector<16xi1>, vector<16xi32>
    %sub3A_815 = arith.subi %convert_element_type3A_807, %select_n3A_814 : vector<16xi32>
    %max3A_816 = arith.constant 0 : i32
    %max3A_817 = vector.broadcast %max3A_816 : i32 to vector<16xi32>
    %max3A_818 = arith.maxsi %sub3A_815, %max3A_817 : vector<16xi32>
    %min3A_819 = arith.constant 14 : i32
    %min3A_820 = vector.broadcast %min3A_819 : i32 to vector<16xi32>
    %min3A_821 = arith.minsi %max3A_818, %min3A_820 : vector<16xi32>
    %gather3A_822 = tpu.vector_load_idx %arg6[%min3A_821] : memref<16xf32, #tpu.memory_space<vmem>>[vector<16xi32>], vector<16xf32>,
    %eq3A_823 = arith.constant -1.000000e+00 : f32
    %eq3A_824 = vector.broadcast %eq3A_823 : f32 to vector<16xf32>
    %eq3A_825 = arith.cmpf oeq, %gather3A_822, %eq3A_824 : vector<16xf32>
    %select_n3A_826 = arith.select %eq3A_825, %get3A_803, %gather3A_822 : vector<16xi1>, vector<16xf32>
    %swap3A_827 = arith.constant 480 : index
    %swap3A_828 = tpu.vector_load %arg7[%swap3A_827] {strides = array<i32>} : memref<512xf32, #tpu.memory_space<vmem>>, vector<16xf32>,
    tpu.vector_store %arg7[%swap3A_827], %select_n3A_826 {strides = array<i32>} : memref<512xf32, #tpu.memory_space<vmem>>, vector<16xf32>,
    %get3A_829 = arith.constant 496 : index
    %get3A_830 = tpu.vector_load %arg5[%get3A_829] {strides = array<i32>} : memref<512xf32, #tpu.memory_space<vmem>>, vector<16xf32>,
    %mul3A_831 = arith.constant 1.500000e+01 : f32
    %mul3A_832 = vector.broadcast %mul3A_831 : f32 to vector<16xf32>
    %mul3A_833 = arith.mulf %get3A_830, %mul3A_832 : vector<16xf32>
    %convert_element_type3A_834 = arith.fptosi %mul3A_833 : vector<16xf32> to vector<16xi32>
    %convert_element_type3A_835 = arith.sitofp %convert_element_type3A_834 : vector<16xi32> to vector<16xf32>
    %eq3A_836 = arith.cmpf oeq, %convert_element_type3A_835, %mul3A_833 : vector<16xf32>
    %jit3A_837 = arith.constant 1 : i32
    %jit3A_838 = arith.constant 0 : i32
    %broadcast_in_dim3A_839 = vector.broadcast %jit3A_837 : i32 to vector<16xi32>
    %broadcast_in_dim3A_840 = vector.broadcast %jit3A_838 : i32 to vector<16xi32>
    %select_n3A_841 = arith.select %eq3A_836, %broadcast_in_dim3A_839, %broadcast_in_dim3A_840 : vector<16xi1>, vector<16xi32>
    %sub3A_842 = arith.subi %convert_element_type3A_834, %select_n3A_841 : vector<16xi32>
    %max3A_843 = arith.constant 0 : i32
    %max3A_844 = vector.broadcast %max3A_843 : i32 to vector<16xi32>
    %max3A_845 = arith.maxsi %sub3A_842, %max3A_844 : vector<16xi32>
    %min3A_846 = arith.constant 14 : i32
    %min3A_847 = vector.broadcast %min3A_846 : i32 to vector<16xi32>
    %min3A_848 = arith.minsi %max3A_845, %min3A_847 : vector<16xi32>
    %gather3A_849 = tpu.vector_load_idx %arg6[%min3A_848] : memref<16xf32, #tpu.memory_space<vmem>>[vector<16xi32>], vector<16xf32>,
    %eq3A_850 = arith.constant -1.000000e+00 : f32
    %eq3A_851 = vector.broadcast %eq3A_850 : f32 to vector<16xf32>
    %eq3A_852 = arith.cmpf oeq, %gather3A_849, %eq3A_851 : vector<16xf32>
    %select_n3A_853 = arith.select %eq3A_852, %get3A_830, %gather3A_849 : vector<16xi1>, vector<16xf32>
    %swap3A_854 = arith.constant 496 : index
    %swap3A_855 = tpu.vector_load %arg7[%swap3A_854] {strides = array<i32>} : memref<512xf32, #tpu.memory_space<vmem>>, vector<16xf32>,
    tpu.vector_store %arg7[%swap3A_854], %select_n3A_853 {strides = array<i32>} : memref<512xf32, #tpu.memory_space<vmem>>, vector<16xf32>,
    "tpu.region"() ({
      %run_scoped3A = tpu.sem_alloc : memref<!tpu.dma_semaphore, #tpu.memory_space<semaphore_mem>>
      %dma_start3A = tpu.memref_slice %arg4[%mul3A_2] : memref<16384xf32, #tpu.memory_space<hbm>> -> memref<512xf32, #tpu.memory_space<hbm>>
      %dma_start3A_856 = tpu.memref_slice %arg4[%mul3A_2] : memref<16384xf32, #tpu.memory_space<hbm>> -> memref<512xf32, #tpu.memory_space<hbm>>
      tpu.enqueue_dma source(%arg7 : memref<512xf32, #tpu.memory_space<vmem>>) target(%dma_start3A_856 : memref<512xf32, #tpu.memory_space<hbm>>) target_semaphore(%run_scoped3A : memref<!tpu.dma_semaphore, #tpu.memory_space<semaphore_mem>>)
      %dma_wait3A = tpu.memref_slice %arg4[%mul3A_2] : memref<16384xf32, #tpu.memory_space<hbm>> -> memref<512xf32, #tpu.memory_space<hbm>>
      %dma_wait3A_857 = tpu.memref_slice %arg4[%mul3A_2] : memref<16384xf32, #tpu.memory_space<hbm>> -> memref<512xf32, #tpu.memory_space<hbm>>
      tpu.wait_dma2 semaphore(%run_scoped3A : memref<!tpu.dma_semaphore, #tpu.memory_space<semaphore_mem>>) src(%arg7 : memref<512xf32, #tpu.memory_space<vmem>>) dst(%dma_wait3A_857 : memref<512xf32, #tpu.memory_space<hbm>>)
      tpu.yield
    }) : () -> ()
    return
  }
}

module attributes {stable_mosaic.version = 14 : i64} {
  func.func @_stats_kernel(%arg0: i32, %arg1: memref<2048x64xf32, #tpu.memory_space<vmem>>, %arg2: memref<64x1000xf32, #tpu.memory_space<vmem>>, %arg3: memref<1x1000xf32, #tpu.memory_space<vmem>>, %arg4: memref<2048x1xf32, #tpu.memory_space<vmem>>) attributes {dimension_semantics = [#tpu.dimension_semantics<arbitrary>], iteration_bounds = array<i64: 8>, scalar_prefetch = 0 : i64, scratch_operands = 0 : i64, tpu.core_type = #tpu.core_type<tc>, window_params = [{transform_indices = @transform_0, window_bounds = array<i64: 2048, 64>}, {pipeline_mode = #tpu.pipeline_mode<synchronous>, transform_indices = @transform_1, window_bounds = array<i64: 64, 1000>}, {pipeline_mode = #tpu.pipeline_mode<synchronous>, transform_indices = @transform_2, window_bounds = array<i64: 1, 1000>}, {transform_indices = @transform_3, window_bounds = array<i64: 2048, 1>}]} {
    %get3A = arith.constant 0 : index
    %get3A_0 = arith.constant 0 : index
    %get3A_1 = vector.load %arg1[%get3A, %get3A_0] : memref<2048x64xf32, #tpu.memory_space<vmem>>, vector<2048x64xf32>
    %get3A_2 = arith.constant 0 : index
    %get3A_3 = arith.constant 0 : index
    %get3A_4 = vector.load %arg2[%get3A_2, %get3A_3] : memref<64x1000xf32, #tpu.memory_space<vmem>>, vector<64x1000xf32>
    %dot_general3A = arith.constant dense<0.000000e+00> : vector<2048x1000xf32>
    %dot_general3A_5 = tpu.matmul %get3A_1, %get3A_4, %dot_general3A {dimension_numbers = #tpu.dot_dimension_numbers<[1], [0], [0], [1], [0, 0, 1, 1], [], []>, transpose_lhs_hint = false} : vector<2048x64xf32>, vector<64x1000xf32>, vector<2048x1000xf32> -> vector<2048x1000xf32>
    %get3A_6 = arith.constant 0 : index
    %get3A_7 = arith.constant 0 : index
    %get3A_8 = vector.load %arg3[%get3A_6, %get3A_7] : memref<1x1000xf32, #tpu.memory_space<vmem>>, vector<1x1000xf32>
    %add3A = vector.broadcast %get3A_8 : vector<1x1000xf32> to vector<2048x1000xf32>
    %add3A_9 = arith.addf %dot_general3A_5, %add3A : vector<2048x1000xf32>
    %reduce_max3A = arith.constant dense<0xFF800000> : vector<2048xf32>
    %reduce_max3A_10 = vector.multi_reduction <maximumf>, %add3A_9, %reduce_max3A [1] : vector<2048x1000xf32> to vector<2048xf32>
    %broadcast_in_dim3A = vector.shape_cast %reduce_max3A_10 : vector<2048xf32> to vector<2048x1xf32>
    %sub3A = vector.broadcast %broadcast_in_dim3A : vector<2048x1xf32> to vector<2048x1000xf32>
    %sub3A_11 = arith.subf %add3A_9, %sub3A : vector<2048x1000xf32>
    %exp3A = math.exp %sub3A_11 : vector<2048x1000xf32>
    %reduce_sum3A = arith.constant dense<0.000000e+00> : vector<2048xf32>
    %reduce_sum3A_12 = vector.multi_reduction <add>, %exp3A, %reduce_sum3A [1] : vector<2048x1000xf32> to vector<2048xf32>
    %broadcast_in_dim3A_13 = vector.shape_cast %reduce_sum3A_12 : vector<2048xf32> to vector<2048x1xf32>
    %div3A = arith.constant 1.000000e+00 : f32
    %div3A_14 = vector.broadcast %div3A : f32 to vector<2048x1xf32>
    %div3A_15 = arith.divf %div3A_14, %broadcast_in_dim3A_13 : vector<2048x1xf32>
    %swap3A = arith.constant 0 : index
    %swap3A_16 = arith.constant 0 : index
    %swap3A_17 = vector.load %arg4[%swap3A, %swap3A_16] : memref<2048x1xf32, #tpu.memory_space<vmem>>, vector<2048x1xf32>
    tpu.vector_store %arg4[%swap3A, %swap3A_16], %div3A_15 {strides = array<i32>} : memref<2048x1xf32, #tpu.memory_space<vmem>>, vector<2048x1xf32>,
    return
  }
  func.func @transform_0(%arg0: i32) -> (i32, i32) {
    %c0_i32 = arith.constant 0 : i32
    %c0_i32_0 = arith.constant 0 : i32
    return %arg0, %c0_i32 : i32, i32
  }
  func.func @transform_1(%arg0: i32) -> (i32, i32) {
    %c0_i32 = arith.constant 0 : i32
    %c0_i32_0 = arith.constant 0 : i32
    %c0_i32_1 = arith.constant 0 : i32
    return %c0_i32, %c0_i32_0 : i32, i32
  }
  func.func @transform_2(%arg0: i32) -> (i32, i32) {
    %c0_i32 = arith.constant 0 : i32
    %c0_i32_0 = arith.constant 0 : i32
    %c0_i32_1 = arith.constant 0 : i32
    return %c0_i32, %c0_i32_0 : i32, i32
  }
  func.func @transform_3(%arg0: i32) -> (i32, i32) {
    %c0_i32 = arith.constant 0 : i32
    %c0_i32_0 = arith.constant 0 : i32
    return %arg0, %c0_i32 : i32, i32
  }
}

module attributes {stable_mosaic.version = 14 : i64} {
  func.func @_scale_kernel(%arg0: i32, %arg1: memref<2048x64xf32, #tpu.memory_space<vmem>>, %arg2: memref<64x1000xf32, #tpu.memory_space<vmem>>, %arg3: memref<1x1000xf32, #tpu.memory_space<vmem>>, %arg4: memref<2048x1xf32, #tpu.memory_space<vmem>>, %arg5: memref<2048x1000xf32, #tpu.memory_space<vmem>>) attributes {dimension_semantics = [#tpu.dimension_semantics<arbitrary>], iteration_bounds = array<i64: 8>, scalar_prefetch = 0 : i64, scratch_operands = 0 : i64, tpu.core_type = #tpu.core_type<tc>, window_params = [{transform_indices = @transform_0, window_bounds = array<i64: 2048, 64>}, {pipeline_mode = #tpu.pipeline_mode<synchronous>, transform_indices = @transform_1, window_bounds = array<i64: 64, 1000>}, {pipeline_mode = #tpu.pipeline_mode<synchronous>, transform_indices = @transform_2, window_bounds = array<i64: 1, 1000>}, {transform_indices = @transform_3, window_bounds = array<i64: 2048, 1>}, {transform_indices = @transform_4, window_bounds = array<i64: 2048, 1000>}]} {
    %get3A = arith.constant 0 : index
    %get3A_0 = arith.constant 0 : index
    %get3A_1 = vector.load %arg1[%get3A, %get3A_0] : memref<2048x64xf32, #tpu.memory_space<vmem>>, vector<2048x64xf32>
    %get3A_2 = arith.constant 0 : index
    %get3A_3 = arith.constant 0 : index
    %get3A_4 = vector.load %arg2[%get3A_2, %get3A_3] : memref<64x1000xf32, #tpu.memory_space<vmem>>, vector<64x1000xf32>
    %dot_general3A = arith.constant dense<0.000000e+00> : vector<2048x1000xf32>
    %dot_general3A_5 = tpu.matmul %get3A_1, %get3A_4, %dot_general3A {dimension_numbers = #tpu.dot_dimension_numbers<[1], [0], [0], [1], [0, 0, 1, 1], [], []>, transpose_lhs_hint = false} : vector<2048x64xf32>, vector<64x1000xf32>, vector<2048x1000xf32> -> vector<2048x1000xf32>
    %get3A_6 = arith.constant 0 : index
    %get3A_7 = arith.constant 0 : index
    %get3A_8 = vector.load %arg3[%get3A_6, %get3A_7] : memref<1x1000xf32, #tpu.memory_space<vmem>>, vector<1x1000xf32>
    %add3A = vector.broadcast %get3A_8 : vector<1x1000xf32> to vector<2048x1000xf32>
    %add3A_9 = arith.addf %dot_general3A_5, %add3A : vector<2048x1000xf32>
    %reduce_max3A = arith.constant dense<0xFF800000> : vector<2048xf32>
    %reduce_max3A_10 = vector.multi_reduction <maximumf>, %add3A_9, %reduce_max3A [1] : vector<2048x1000xf32> to vector<2048xf32>
    %broadcast_in_dim3A = vector.shape_cast %reduce_max3A_10 : vector<2048xf32> to vector<2048x1xf32>
    %sub3A = vector.broadcast %broadcast_in_dim3A : vector<2048x1xf32> to vector<2048x1000xf32>
    %sub3A_11 = arith.subf %add3A_9, %sub3A : vector<2048x1000xf32>
    %exp3A = math.exp %sub3A_11 : vector<2048x1000xf32>
    %reduce_sum3A = arith.constant dense<0.000000e+00> : vector<2048xf32>
    %reduce_sum3A_12 = vector.multi_reduction <add>, %exp3A, %reduce_sum3A [1] : vector<2048x1000xf32> to vector<2048xf32>
    %broadcast_in_dim3A_13 = vector.shape_cast %reduce_sum3A_12 : vector<2048xf32> to vector<2048x1xf32>
    %get3A_14 = arith.constant 0 : index
    %get3A_15 = arith.constant 0 : index
    %get3A_16 = vector.load %arg4[%get3A_14, %get3A_15] : memref<2048x1xf32, #tpu.memory_space<vmem>>, vector<2048x1xf32>
    %sub3A_17 = arith.constant 1.000000e+00 : f32
    %sub3A_18 = vector.broadcast %sub3A_17 : f32 to vector<2048x1xf32>
    %sub3A_19 = arith.subf %sub3A_18, %get3A_16 : vector<2048x1xf32>
    %sub3A_20 = arith.constant 1.000000e+00 : f32
    %sub3A_21 = vector.broadcast %sub3A_20 : f32 to vector<2048x1xf32>
    %sub3A_22 = arith.subf %broadcast_in_dim3A_13, %sub3A_21 : vector<2048x1xf32>
    %div3A = arith.divf %sub3A_19, %sub3A_22 : vector<2048x1xf32>
    %eq3A = vector.broadcast %broadcast_in_dim3A : vector<2048x1xf32> to vector<2048x1000xf32>
    %eq3A_23 = arith.cmpf oeq, %add3A_9, %eq3A : vector<2048x1000xf32>
    %mul3A = vector.broadcast %div3A : vector<2048x1xf32> to vector<2048x1000xf32>
    %mul3A_24 = arith.mulf %exp3A, %mul3A : vector<2048x1000xf32>
    %broadcast_in_dim3A_25 = vector.shape_cast %get3A_16 : vector<2048x1xf32> to vector<2048x1xf32>
    %broadcast_in_dim3A_26 = vector.broadcast %broadcast_in_dim3A_25 : vector<2048x1xf32> to vector<2048x1000xf32>
    %select_n3A = arith.select %eq3A_23, %broadcast_in_dim3A_26, %mul3A_24 : vector<2048x1000xi1>, vector<2048x1000xf32>
    %swap3A = arith.constant 0 : index
    %swap3A_27 = arith.constant 0 : index
    %swap3A_28 = vector.load %arg5[%swap3A, %swap3A_27] : memref<2048x1000xf32, #tpu.memory_space<vmem>>, vector<2048x1000xf32>
    tpu.vector_store %arg5[%swap3A, %swap3A_27], %select_n3A {strides = array<i32>} : memref<2048x1000xf32, #tpu.memory_space<vmem>>, vector<2048x1000xf32>,
    return
  }
  func.func @transform_0(%arg0: i32) -> (i32, i32) {
    %c0_i32 = arith.constant 0 : i32
    %c0_i32_0 = arith.constant 0 : i32
    return %arg0, %c0_i32 : i32, i32
  }
  func.func @transform_1(%arg0: i32) -> (i32, i32) {
    %c0_i32 = arith.constant 0 : i32
    %c0_i32_0 = arith.constant 0 : i32
    %c0_i32_1 = arith.constant 0 : i32
    return %c0_i32, %c0_i32_0 : i32, i32
  }
  func.func @transform_2(%arg0: i32) -> (i32, i32) {
    %c0_i32 = arith.constant 0 : i32
    %c0_i32_0 = arith.constant 0 : i32
    %c0_i32_1 = arith.constant 0 : i32
    return %c0_i32, %c0_i32_0 : i32, i32
  }
  func.func @transform_3(%arg0: i32) -> (i32, i32) {
    %c0_i32 = arith.constant 0 : i32
    %c0_i32_0 = arith.constant 0 : i32
    return %arg0, %c0_i32 : i32, i32
  }
  func.func @transform_4(%arg0: i32) -> (i32, i32) {
    %c0_i32 = arith.constant 0 : i32
    %c0_i32_0 = arith.constant 0 : i32
    return %arg0, %c0_i32 : i32, i32
  }
}

</mosaic_0001>

<sc_bundles>
// kernel: kernel.5.cloned.1.call-start
scs
__scs_entry_jumppad:
0x0: {  	(pc) =	sbr.rel $0x88, $3  }
0x1: {  	(tag) =	ssettag $0x0;
	lr =	simm.s32 $0x1  }
0x2: {  	[smem:$0x3F9D] =	sst lr;
	_ =	strace $0xD0000000  }
0x3: {  	_ = 	snop  }
0x4: {  	_ = 	snop  }
0x5: {  	_ = 	snop  }
0x6: {  	_ = 	snop  }
0x7: {  	_ = 	snop  }
__scs_overlays_trampoline_lowered:
0x8: {  	[smem:$0x3FAC] =	sst s0  }
0x9: {  	[smem:$0x3FAD] =	sst s1  }
0xa: {  	[smem:$0x3FAE] =	sst s2  }
0xb: {  	[smem:$0x3FAF] =	sst s3  }
0xc: {  	[smem:$0x3FB0] =	sst s4  }
0xd: {  	[smem:$0x3FB1] =	sst s5  }
0xe: {  	[smem:$0x3FB2] =	sst s6  }
0xf: {  	[smem:$0x3FB3] =	sst s7  }
0x10: {  	[smem:$0x3FB4] =	sst s8  }
0x11: {  	[smem:$0x3FB5] =	sst s9;
	s0 =	simm.s32 @!p0 $0x0  }
0x12: {  	s1 =	sld [smem:$0x3F9B];
	s0 =	simm.s32 @p0 $0x1  }
0x13: {  	[smem:$0x3FB6] =	sst s0;
	s0 =	simm.s32 @!p1 $0x0  }
0x14: {  	s2 =	sld [smem:$0x3F9A];
	s0 =	simm.s32 @p1 $0x1  }
0x15: {  	[smem:$0x3FB7] =	sst s0;
	s0 =	simm.s32 @!p2 $0x0  }
0x16: {  	s3 =	sld [smem:$0x3FDB];
	s0 =	simm.s32 @p2 $0x1  }
0x17: {  	s4 =	simm.s32 $0x1BF5;
	[smem:$0x3FB9] =	sst s0  }
0x18: {  	s0 =	sld [smem:$0x3F9C];
	_ =	swait.ge [sflag:s4], $0x0  }
0x19: {  	s7 =	sld [smem:$0x3F9D]  }
0x1a: {  	s8 =	sadd.s32 $0xFFFFE003, lr  }
0x1b: {  	s9 =	sadd.s32 $0xFFFFFEF7, lr;
	s5 =	simm.s32 $0xFFFFFFFF;
	p2 =	slt.u32 s8, $0xFFFFF086  }
0x1c: {  	p1 =	slt.u32 s9, $0xF7A;
	s5 =	simm.s32 @!p2 $0x0  }
0x1d: {  	s5 =	simm.s32 @p1 $0x1;
	p0 =	seq.s32 s7, s2  }
0x1e: {  	s7 =	smul.u32 @!p0 $0xF7A, s2;
	p2 =	seq.s32 @!p0 s5, $0x0  }
0x1f: {  	s9 =	smul.u32 $0xF7A, s1;
	s8 =	simm.s32 @!p0 $0x1BF5;
	p2 =	por !p2, p0  }
0x20: {  	[sflag:s8] =	ssyncset.s32 @!p0 $0xFFFFF086;
	s6 =	sadd.s32 @!p0 s3, s7;
	s7 =	simm.s32 @!p0 $0x108  }
0x21: {  	s3 =	sadd.s32 s3, s9;
	s6 =	sadd.s32 @!p0 $0x88, s6;
	s7 =	simm.s32 @p2 $0x1082  }
0x22: {  	[simem:s7], [sflag:s8] =	dma.local @!p0 [hbm:s6], $0xF7A  }
0x23: {  	s9 =	sor.u32 $0xD0000000, s2;
	s6 =	simm.s32 $0x108;
	_ =	swait.ge @!p0 [sflag:s8], $0x0  }
0x24: {  	s3 =	sadd.s32 $0x88, s3;
	s6 =	simm.s32 @!p1 $0x1082;
	[sflag:s4] =	ssyncset.s32 $0xFFFFF086  }
0x25: {  	[simem:s6], [sflag:s4] =	dma.local [hbm:s3], $0xF7A  }
0x26: {  	[smem:$0x3F9D] =	sst s1;
	(tag) =	ssettag s2;
	_ =	strace s9  }
0x27: {  	s1 =	sld [smem:$0x3FAD]  }
0x28: {  	s2 =	sld [smem:$0x3FAE]  }
0x29: {  	s4 =	sld [smem:$0x3FB0]  }
0x2a: {  	p0 =	seq.s32 s5, $0x0;
	s5 =	sld [smem:$0x3FB1]  }
0x2b: {  	s6 =	sld [smem:$0x3FB2]  }
0x2c: {  	s7 =	sld [smem:$0x3FB3]  }
0x2d: {  	s3 =	simm.s32 $0x108;
	s8 =	sld [smem:$0x3FB4]  }
0x2e: {  	s3 =	simm.s32 @!p0 $0x1082;
	s9 =	sld [smem:$0x3FB5]  }
0x2f: {  	lr =	sadd.s32 s0, s3;
	s0 =	sld [smem:$0x3FAC]  }
0x30: {  	s3 =	sld [smem:$0x3FAF]  }
0x31: {  	[smem:$0x3FB8] =	sst s10  }
0x32: {  	s10 =	sld [smem:$0x3FB6];
	_ =	sdelay $0x3  }
0x33: {  	p0 =	seq.s32 s10, $0x1;
	s10 =	sld [smem:$0x3FB8];
	_ =	sdelay $0x3  }
0x34: {  	[smem:$0x3FB8] =	sst s10  }
0x35: {  	s10 =	sld [smem:$0x3FB7];
	_ =	sdelay $0x3  }
0x36: {  	p1 =	seq.s32 s10, $0x1;
	s10 =	sld [smem:$0x3FB8];
	_ =	sdelay $0x3  }
0x37: {  	[smem:$0x3FB8] =	sst s10  }
0x38: {  	s10 =	sld [smem:$0x3FB9]  }
0x39: {  	_ = 	snop;
	(pc) =	sbr.ind lr, $3  }
0x3a: {  	_ = 	snop  }
0x3b: {  	_ = 	snop  }
0x3c: {  	p2 =	seq.s32 s10, $0x1;
	s10 =	sld [smem:$0x3FB8]  }
0x3d: {  	_ =	shalt  }
0x3e: {  	_ =	shalt  }
0x3f: {  	_ =	shalt  }
0x40: {  	_ =	shalt  }
0x41: {  	_ =	shalt  }
0x42: {  	_ =	shalt  }
0x43: {  	_ =	shalt  }
0x44: {  	_ =	shalt  }
0x45: {  	_ =	shalt  }
0x46: {  	_ =	shalt  }
0x47: {  	_ =	shalt  }
0x48: {  	_ =	shalt  }
0x49: {  	_ =	shalt  }
0x4a: {  	_ =	shalt  }
0x4b: {  	_ =	shalt  }
0x4c: {  	_ =	shalt  }
0x4d: {  	_ =	shalt  }
0x4e: {  	_ =	shalt  }
0x4f: {  	_ =	shalt  }
0x50: {  	_ =	shalt  }
0x51: {  	_ =	shalt  }
0x52: {  	_ =	shalt  }
0x53: {  	_ =	shalt  }
0x54: {  	_ =	shalt  }
0x55: {  	_ =	shalt  }
0x56: {  	_ =	shalt  }
0x57: {  	_ =	shalt  }
0x58: {  	_ =	shalt  }
0x59: {  	_ =	shalt  }
0x5a: {  	_ =	shalt  }
0x5b: {  	_ =	shalt  }
0x5c: {  	_ =	shalt  }
0x5d: {  	_ =	shalt  }
0x5e: {  	_ =	shalt  }
0x5f: {  	_ =	shalt  }
0x60: {  	_ =	shalt  }
0x61: {  	_ =	shalt  }
0x62: {  	_ =	shalt  }
0x63: {  	_ =	shalt  }
0x64: {  	_ =	shalt  }
0x65: {  	_ =	shalt  }
0x66: {  	_ =	shalt  }
0x67: {  	_ =	shalt  }
0x68: {  	_ =	shalt  }
0x69: {  	_ =	shalt  }
0x6a: {  	_ =	shalt  }
0x6b: {  	_ =	shalt  }
0x6c: {  	_ =	shalt  }
0x6d: {  	_ =	shalt  }
0x6e: {  	_ =	shalt  }
0x6f: {  	_ =	shalt  }
0x70: {  	_ =	shalt  }
0x71: {  	_ =	shalt  }
0x72: {  	_ =	shalt  }
0x73: {  	_ =	shalt  }
0x74: {  	_ =	shalt  }
0x75: {  	_ =	shalt  }
0x76: {  	_ =	shalt  }
0x77: {  	_ =	shalt  }
0x78: {  	_ =	shalt  }
0x79: {  	_ =	shalt  }
0x7a: {  	_ =	shalt  }
0x7b: {  	_ =	shalt  }
0x7c: {  	_ =	shalt  }
0x7d: {  	_ =	shalt  }
0x7e: {  	_ =	shalt  }
0x7f: {  	_ =	shalt  }
0x80: {  	_ =	shalt  }
0x81: {  	_ =	shalt  }
0x82: {  	_ =	shalt  }
0x83: {  	_ =	shalt  }
0x84: {  	_ =	shalt  }
0x85: {  	_ =	shalt  }
0x86: {  	_ =	shalt  }
0x87: {  	_ =	shalt  }
.Lfunc_end0:
.L_simem_size_0:
called_computation_lowered:
.L_overlay_start_0:
0x88: {  	s2 =	sld [smem:$0x3FD9]  }
0x89: {  	s3 =	sld [smem:$0x3FFE];
	_ =	sdelay $0x1  }
0x8a: {  	s1 =	srdreg.scid  }
0x8b: {  	s0 =	sand.u32 $0x1, s1  }
0x8c: {  	s17 =	sshll.u32 s0, $0xA;
	s2 =	sadd.s32 s3, s2  }
0x8d: {  	s2 =	sadd.s32 s2, s17  }
0x8e: {  	[smem:$0x3FC4] =	sst s2  }
0x8f: {  	_ = 	snop  }
0x90: {  	s2 =	sld [smem:$0x3FD0];
	(tm) =	ssettm $0x1  }
0x91: {  	s18 =	sld [smem:$0x3FFB];
	_ =	sdelay $0x3  }
0x92: {  	_ =	strace s18  }
0x93: {  	s3 =	sld [smem:$0x3FFC];
	_ =	sdelay $0x3  }
0x94: {  	_ =	strace s3  }
0x95: {  	s3 =	sld [smem:$0x3FFD];
	_ =	sdelay $0x3  }
0x96: {  	_ =	strace s3  }
0x97: {  	_ =	strace $0x8FFFFFFF  }
0x98: {  	s19 =	sld [smem:$0x3FDB];
	_ =	sdelay $0x1  }
0x99: {  	s4 =	simm.s32 $_scs_section_size  }
0x9a: {  	s5 =	simm.s32 $_size__tile_overlayer_lowered;
	s6 =	simm.s32 $_tile_overlayer_lowered  }
0x9b: {  	s22 =	simm.s32 $0x1BFF;
	s21 =	sshll.u32 s6, $0x1;
	s3 =	sadd.s32 s4, s19  }
0x9c: {  	s7 =	simm.s32 $0x0;
	s20 =	sshll.u32 s5, $0x1;
	s5 =	sadd.s32 s21, s3  }
0x9d: {  	[timem:s7], [sflag:s22] =	dma.local [hbm:s5], s20  }
0x9e: {  	_ =	swait.ge [sflag:s22], s20  }
0x9f: {  	s4 =	ssub.s32 $0x0, s20;
	[sflag:s22] =	ssyncset.done $0x0  }
0xa0: {  	[sflag:s22] =	ssyncadd.s32 s4;
	_ =	sdelay $0x1  }
0xa1: {  	s23 =	simm.s32 $0x1B8B  }
0xa2: {  	_ =	swait.ge [sflag:s23], $0x1  }
0xa3: {  	[sflag:s23] =	ssyncset.done $0x0  }
0xa4: {  	s25 =	simm.s32 $0x1B8E;
	s24 =	sld [smem:$0x3FFE];
	[sflag:s23] =	ssyncadd.s32 $0xFFFFFFFF  }
0xa5: {  	s26 =	simm.s32 $execute0_lowered;
	[smem:$0x3FD2] =	sst s25  }
0xa6: {  	s5 =	sshll.u32 s26, $0x1;
	_ =	strace $0x80000046;
	[dreg:$0x1] =	wrdreg $0xFFFFFFFF  }
0xa7: {  	s28 =	simm.s32 $_size_execute0_lowered;
	s3 =	sadd.s32 s3, s5;
	[dreg:$0x0] =	wrdreg $0x0  }
0xa8: {  	s5 =	sshll.u32 s28, $0x1;
	[dreg:$0x2] =	wrdreg s3  }
0xa9: {  	[dreg:$0x3] =	wrdreg s5  }
0xaa: {  	[dreg:$0x4] =	wrdreg $0xC0  }
0xab: {  	_ =	task [dreg:s7], $0x5FFFF  }
0xac: {  	[dreg:$0x1] =	wrdreg $0xFFFFFFFF  }
0xad: {  	[dreg:$0x0] =	wrdreg $0x60  }
0xae: {  	[dreg:$0x2] =	wrdreg s2  }
0xaf: {  	[dreg:$0x3] =	wrdreg s24  }
0xb0: {  	[dreg:$0x4] =	wrdreg $0x9  }
0xb1: {  	_ =	task.clear_ibuf [dreg:s7], $0x5FFFF;
	_ =	strace $0x90000046  }
0xb2: {  	s29 =	simm.s32 $0x9;
	_ =	strace $0x80000048  }
0xb3: {  	_ =	swait.ge [sflag:s29], $0x1  }
0xb4: {  	[sflag:s29] =	ssyncadd.s32 $0xFFFFFFFF  }
0xb5: {  	_ =	strace $0x90000048  }
0xb6: {  	_ =	sfence  }
0xb7: {  	s30 =	sld [smem:$0x0];
	_ =	sdelay $0x2  }
0xb8: {  	s31 =	sshll.u32 s1, $0xD;
	s1 =	sshrl.u32 s1, $0x2  }
0xb9: {  	s3 =	sand.u32 $0x4000, s31;
	s1 =	sadd.s32 s1, s30  }
0xba: {  	s0 =	sor.u32 s3, s0;
	s1 =	sshll.u32 s1, $0x11  }
0xbb: {  	s0 =	sor.u32 s1, s0  }
0xbc: {  	s0 =	sadd.s32 $0x8F2B, s0  }
0xbd: {  	[sflag:s0] =	ssyncadd.remote.s32 $0x1  }
0xbe: {  	_ =	sfence.sel $0xFFFF  }
0xbf: {  	[dreg:$0x0] =	wrdreg $0xFFFFFFFF;
	(pc) =	sbr.abs _section_cstart, $3  }
0xc0: {  	[dreg:$0x1] =	wrdreg $0xFFFFFFFF  }
0xc1: {  	_ =	task.clear_ibuf [dreg:s7], $0x2FFFF;
	_ =	strace $0x9FFFFFFF  }
0xc2: {  	(tm) =	ssettm $0x7FFFFFFF  }
0xc3: {  	_ =	shalt  }
tec
execute0_lowered:
.L_overlay_start_1:
0x0: {  	(tag) =	ssettag $0x1  }
0x1: {  	s3 =	rddreg [dreg:$0x0]  }
0x2: {  	s7 =	rddreg [dreg:$0x1];
	s2 =	srdreg.scid  }
0x3: {  	s0 =	rddreg [dreg:$0x2];
	s1 =	stileid.u32;
	s8 =	sand.u32 $0x1, s2  }
0x4: {  	s2 =	simm.s32 $0x0;
	s4 =	sshll.u32 s1, $0x7;
	s5 =	sshll.u32 s8, $0x6  }
0x5: {  	[smem:$0x7FF] =	sst s2;
	s9 =	sor.u32 s5, s4  }
0x6: {  	_ =	strace $0x80000047;
	s4 =	sadd.s32 s3, s9;
	s3 =	simm.s32 $0x1  }
0x7: {  	[tilespmem:s2], [sflag:$0x1] =	stream.linear.gather [hbm4b:s4+s2], $0x200, $0x38;
	[tilespmem:$0x480] =	vst v63  }
0x8: {  	_ =	swait.ge [sflag:s3], $0x200  }
0x9: {  	[sflag:s3] =	ssyncset.done $0x0  }
0xa: {  	s6 =	simm.s32 $0x200;
	s5 =	sadd.s32 $0x600, s7;
	[sflag:s3] =	ssyncadd.s32 $0xFFFFFE00  }
0xb: {  	[tilespmem:s6], [sflag:$0x1] =	stream.linear.gather [hbm4b:s5+s2], $0x80, $0x38;
	[tilespmem:$0x480] =	vst v63  }
0xc: {  	_ =	swait.ge [sflag:s3], $0x80  }
0xd: {  	[sflag:s3] =	ssyncset.done $0x0  }
0xe: {  	[sflag:s3] =	ssyncadd.s32 $0xFFFFFF80  }
0xf: {  	v1 =	vld [tilespmem:$0x0];
	_ =	sdelay $0x4  }
0x10: {  	v2 =	vmul.f32 $1.500000000e+01, v1;
	_ =	sdelay $0x1  }
0x11: {  	v3 =	vtrunc.f32 v2  }
0x12: {  	v0 =	vimm.s32 $0x0;
	v4 =	vcvt.f32.s32 v3;
	vm0 =	veq.f32 v2, v3;
	v2 =	vld [tilespmem:$0x10]  }
0x13: {  	v3 =	vsel vm0, $0xFFFFFFFF, v0  }
0x14: {  	v3 =	vadd.s32 v4, v3  }
0x15: {  	vm5 =	vgt.s32 v3, $0x0  }
0x16: {  	v3 =	vnsel vm5, $0x0, v3  }
0x17: {  	v3 =	vmin.u32 v3, $0xE;
	v22 =	vmul.f32 $1.500000000e+01, v2;
	_ =	sdelay $0x1  }
0x18: {  	v5 =	vtrunc.f32 v22  }
0x19: {  	v23 =	vld [tilespmem:$0x20];
	v6 =	vcvt.f32.s32 v5;
	vm6 =	veq.f32 v22, v5  }
0x1a: {  	v5 =	vsel vm6, $0xFFFFFFFF, v0  }
0x1b: {  	v3 =	vld.idx.msk [tilespmem:v3+s6+$0x0], $0xffff;
	v5 =	vadd.s32 v6, v5  }
0x1c: {  	vm7 =	vgt.s32 v5, $0x0  }
0x1d: {  	v5 =	vnsel vm7, $0x0, v5  }
0x1e: {  	v24 =	vmul.f32 $1.500000000e+01, v23;
	v5 =	vmin.u32 v5, $0xE;
	_ =	sdelay $0x1  }
0x1f: {  	v7 =	vtrunc.f32 v24;
	vm8 =	veq.f32 v3, $-1.000000000e+00  }
0x20: {  	v25 =	vld [tilespmem:$0x30];
	vm9 =	veq.f32 v24, v7;
	v1 =	vsel vm8, v1, v3;
	v3 =	vcvt.f32.s32 v7  }
0x21: {  	[tilespmem:$0x280] =	vst v1;
	v1 =	vsel vm9, $0xFFFFFFFF, v0  }
0x22: {  	v5 =	vld.idx.msk [tilespmem:v5+s6+$0x0], $0xffff;
	v1 =	vadd.s32 v3, v1  }
0x23: {  	vm10 =	vgt.s32 v1, $0x0  }
0x24: {  	v1 =	vnsel vm10, $0x0, v1  }
0x25: {  	v3 =	vmul.f32 $1.500000000e+01, v25;
	v1 =	vmin.u32 v1, $0xE;
	_ =	sdelay $0x1  }
0x26: {  	v26 =	vtrunc.f32 v3;
	vm11 =	veq.f32 v5, $-1.000000000e+00  }
0x27: {  	v27 =	vcvt.f32.s32 v26;
	vm12 =	veq.f32 v3, v26;
	v3 =	vld [tilespmem:$0x40];
	v2 =	vsel vm11, v2, v5  }
0x28: {  	[tilespmem:$0x290] =	vst v2;
	v2 =	vsel vm12, $0xFFFFFFFF, v0  }
0x29: {  	v1 =	vld.idx.msk [tilespmem:v1+s6+$0x0], $0xffff;
	v2 =	vadd.s32 v27, v2  }
0x2a: {  	vm13 =	vgt.s32 v2, $0x0  }
0x2b: {  	v2 =	vnsel vm13, $0x0, v2  }
0x2c: {  	v28 =	vmul.f32 $1.500000000e+01, v3;
	v2 =	vmin.u32 v2, $0xE;
	_ =	sdelay $0x1  }
0x2d: {  	v29 =	vtrunc.f32 v28;
	vm14 =	veq.f32 v1, $-1.000000000e+00  }
0x2e: {  	v31 =	vld [tilespmem:$0x50];
	v30 =	vcvt.f32.s32 v29;
	vm15 =	veq.f32 v28, v29;
	v1 =	vsel vm14, v23, v1  }
0x2f: {  	[tilespmem:$0x2A0] =	vst v1;
	v1 =	vsel vm15, $0xFFFFFFFF, v0  }
0x30: {  	v2 =	vld.idx.msk [tilespmem:v2+s6+$0x0], $0xffff;
	v1 =	vadd.s32 v30, v1  }
0x31: {  	vm4 =	vgt.s32 v1, $0x0  }
0x32: {  	v1 =	vnsel vm4, $0x0, v1  }
0x33: {  	v32 =	vmul.f32 $1.500000000e+01, v31;
	v1 =	vmin.u32 v1, $0xE;
	_ =	sdelay $0x1  }
0x34: {  	v33 =	vtrunc.f32 v32;
	vm5 =	veq.f32 v2, $-1.000000000e+00  }
0x35: {  	v35 =	vld [tilespmem:$0x60];
	v34 =	vcvt.f32.s32 v33;
	vm6 =	veq.f32 v32, v33;
	v2 =	vsel vm5, v25, v2  }
0x36: {  	[tilespmem:$0x2B0] =	vst v2;
	v2 =	vsel vm6, $0xFFFFFFFF, v0  }
0x37: {  	v1 =	vld.idx.msk [tilespmem:v1+s6+$0x0], $0xffff;
	v2 =	vadd.s32 v34, v2  }
0x38: {  	vm7 =	vgt.s32 v2, $0x0  }
0x39: {  	v2 =	vnsel vm7, $0x0, v2  }
0x3a: {  	v36 =	vmul.f32 $1.500000000e+01, v35;
	v2 =	vmin.u32 v2, $0xE;
	_ =	sdelay $0x1  }
0x3b: {  	v37 =	vtrunc.f32 v36;
	vm8 =	veq.f32 v1, $-1.000000000e+00  }
0x3c: {  	v38 =	vld [tilespmem:$0x70];
	vm9 =	veq.f32 v36, v37;
	v1 =	vsel vm8, v3, v1;
	v3 =	vcvt.f32.s32 v37  }
0x3d: {  	[tilespmem:$0x2C0] =	vst v1;
	v1 =	vsel vm9, $0xFFFFFFFF, v0  }
0x3e: {  	v2 =	vld.idx.msk [tilespmem:v2+s6+$0x0], $0xffff;
	v1 =	vadd.s32 v3, v1  }
0x3f: {  	vm10 =	vgt.s32 v1, $0x0  }
0x40: {  	v1 =	vnsel vm10, $0x0, v1  }
0x41: {  	v3 =	vmul.f32 $1.500000000e+01, v38;
	v1 =	vmin.u32 v1, $0xE;
	_ =	sdelay $0x1  }
0x42: {  	v39 =	vtrunc.f32 v3;
	vm11 =	veq.f32 v2, $-1.000000000e+00  }
0x43: {  	v40 =	vcvt.f32.s32 v39;
	vm12 =	veq.f32 v3, v39;
	v3 =	vld [tilespmem:$0x80];
	v2 =	vsel vm11, v31, v2  }
0x44: {  	[tilespmem:$0x2D0] =	vst v2;
	v2 =	vsel vm12, $0xFFFFFFFF, v0  }
0x45: {  	v1 =	vld.idx.msk [tilespmem:v1+s6+$0x0], $0xffff;
	v2 =	vadd.s32 v40, v2  }
0x46: {  	vm13 =	vgt.s32 v2, $0x0  }
0x47: {  	v2 =	vnsel vm13, $0x0, v2  }
0x48: {  	v41 =	vmul.f32 $1.500000000e+01, v3;
	v2 =	vmin.u32 v2, $0xE;
	_ =	sdelay $0x1  }
0x49: {  	v42 =	vtrunc.f32 v41;
	vm14 =	veq.f32 v1, $-1.000000000e+00  }
0x4a: {  	v44 =	vld [tilespmem:$0x90];
	v43 =	vcvt.f32.s32 v42;
	vm15 =	veq.f32 v41, v42;
	v1 =	vsel vm14, v35, v1  }
0x4b: {  	[tilespmem:$0x2E0] =	vst v1;
	v1 =	vsel vm15, $0xFFFFFFFF, v0  }
0x4c: {  	v2 =	vld.idx.msk [tilespmem:v2+s6+$0x0], $0xffff;
	v1 =	vadd.s32 v43, v1  }
0x4d: {  	vm4 =	vgt.s32 v1, $0x0  }
0x4e: {  	v1 =	vnsel vm4, $0x0, v1  }
0x4f: {  	v45 =	vmul.f32 $1.500000000e+01, v44;
	v1 =	vmin.u32 v1, $0xE;
	_ =	sdelay $0x1  }
0x50: {  	v46 =	vtrunc.f32 v45;
	vm5 =	veq.f32 v2, $-1.000000000e+00  }
0x51: {  	v48 =	vld [tilespmem:$0xA0];
	v47 =	vcvt.f32.s32 v46;
	vm6 =	veq.f32 v45, v46;
	v2 =	vsel vm5, v38, v2  }
0x52: {  	[tilespmem:$0x2F0] =	vst v2;
	v2 =	vsel vm6, $0xFFFFFFFF, v0  }
0x53: {  	v1 =	vld.idx.msk [tilespmem:v1+s6+$0x0], $0xffff;
	v2 =	vadd.s32 v47, v2  }
0x54: {  	vm7 =	vgt.s32 v2, $0x0  }
0x55: {  	v2 =	vnsel vm7, $0x0, v2  }
0x56: {  	v49 =	vmul.f32 $1.500000000e+01, v48;
	v2 =	vmin.u32 v2, $0xE;
	_ =	sdelay $0x1  }
0x57: {  	v50 =	vtrunc.f32 v49;
	vm8 =	veq.f32 v1, $-1.000000000e+00  }
0x58: {  	v51 =	vld [tilespmem:$0xB0];
	vm9 =	veq.f32 v49, v50;
	v1 =	vsel vm8, v3, v1;
	v3 =	vcvt.f32.s32 v50  }
0x59: {  	[tilespmem:$0x300] =	vst v1;
	v1 =	vsel vm9, $0xFFFFFFFF, v0  }
0x5a: {  	v2 =	vld.idx.msk [tilespmem:v2+s6+$0x0], $0xffff;
	v1 =	vadd.s32 v3, v1  }
0x5b: {  	vm10 =	vgt.s32 v1, $0x0  }
0x5c: {  	v1 =	vnsel vm10, $0x0, v1  }
0x5d: {  	v3 =	vmul.f32 $1.500000000e+01, v51;
	v1 =	vmin.u32 v1, $0xE;
	_ =	sdelay $0x1  }
0x5e: {  	v52 =	vtrunc.f32 v3;
	vm11 =	veq.f32 v2, $-1.000000000e+00  }
0x5f: {  	v53 =	vcvt.f32.s32 v52;
	vm12 =	veq.f32 v3, v52;
	v3 =	vld [tilespmem:$0xC0];
	v2 =	vsel vm11, v44, v2  }
0x60: {  	[tilespmem:$0x310] =	vst v2;
	v2 =	vsel vm12, $0xFFFFFFFF, v0  }
0x61: {  	v1 =	vld.idx.msk [tilespmem:v1+s6+$0x0], $0xffff;
	v2 =	vadd.s32 v53, v2  }
0x62: {  	vm13 =	vgt.s32 v2, $0x0  }
0x63: {  	v2 =	vnsel vm13, $0x0, v2  }
0x64: {  	v54 =	vmul.f32 $1.500000000e+01, v3;
	v2 =	vmin.u32 v2, $0xE;
	_ =	sdelay $0x1  }
0x65: {  	v55 =	vtrunc.f32 v54;
	vm14 =	veq.f32 v1, $-1.000000000e+00  }
0x66: {  	v57 =	vld [tilespmem:$0xD0];
	v56 =	vcvt.f32.s32 v55;
	vm15 =	veq.f32 v54, v55;
	v1 =	vsel vm14, v48, v1  }
0x67: {  	[tilespmem:$0x320] =	vst v1;
	v1 =	vsel vm15, $0xFFFFFFFF, v0  }
0x68: {  	v2 =	vld.idx.msk [tilespmem:v2+s6+$0x0], $0xffff;
	v1 =	vadd.s32 v56, v1  }
0x69: {  	vm4 =	vgt.s32 v1, $0x0  }
0x6a: {  	v1 =	vnsel vm4, $0x0, v1  }
0x6b: {  	v58 =	vmul.f32 $1.500000000e+01, v57;
	v1 =	vmin.u32 v1, $0xE;
	_ =	sdelay $0x1  }
0x6c: {  	v59 =	vtrunc.f32 v58;
	vm5 =	veq.f32 v2, $-1.000000000e+00  }
0x6d: {  	v61 =	vld [tilespmem:$0xE0];
	v60 =	vcvt.f32.s32 v59;
	vm6 =	veq.f32 v58, v59;
	v2 =	vsel vm5, v51, v2  }
0x6e: {  	[tilespmem:$0x330] =	vst v2;
	v2 =	vsel vm6, $0xFFFFFFFF, v0  }
0x6f: {  	v1 =	vld.idx.msk [tilespmem:v1+s6+$0x0], $0xffff;
	v2 =	vadd.s32 v60, v2  }
0x70: {  	vm7 =	vgt.s32 v2, $0x0  }
0x71: {  	v2 =	vnsel vm7, $0x0, v2  }
0x72: {  	v62 =	vmul.f32 $1.500000000e+01, v61;
	v2 =	vmin.u32 v2, $0xE;
	_ =	sdelay $0x1  }
0x73: {  	v63 =	vtrunc.f32 v62;
	vm8 =	veq.f32 v1, $-1.000000000e+00  }
0x74: {  	v9 =	vld [tilespmem:$0xF0];
	vm9 =	veq.f32 v62, v63;
	v1 =	vsel vm8, v3, v1;
	v3 =	vcvt.f32.s32 v63  }
0x75: {  	[tilespmem:$0x340] =	vst v1;
	v1 =	vsel vm9, $0xFFFFFFFF, v0  }
0x76: {  	v2 =	vld.idx.msk [tilespmem:v2+s6+$0x0], $0xffff;
	v1 =	vadd.s32 v3, v1  }
0x77: {  	vm10 =	vgt.s32 v1, $0x0  }
0x78: {  	v1 =	vnsel vm10, $0x0, v1  }
0x79: {  	v3 =	vmul.f32 $1.500000000e+01, v9;
	v1 =	vmin.u32 v1, $0xE;
	_ =	sdelay $0x1  }
0x7a: {  	v10 =	vtrunc.f32 v3;
	vm11 =	veq.f32 v2, $-1.000000000e+00  }
0x7b: {  	v11 =	vcvt.f32.s32 v10;
	vm12 =	veq.f32 v3, v10;
	v3 =	vld [tilespmem:$0x100];
	v2 =	vsel vm11, v57, v2  }
0x7c: {  	[tilespmem:$0x350] =	vst v2;
	v2 =	vsel vm12, $0xFFFFFFFF, v0  }
0x7d: {  	v1 =	vld.idx.msk [tilespmem:v1+s6+$0x0], $0xffff;
	v2 =	vadd.s32 v11, v2  }
0x7e: {  	vm13 =	vgt.s32 v2, $0x0  }
0x7f: {  	v2 =	vnsel vm13, $0x0, v2  }
0x80: {  	v12 =	vmul.f32 $1.500000000e+01, v3;
	v2 =	vmin.u32 v2, $0xE;
	_ =	sdelay $0x1  }
0x81: {  	v13 =	vtrunc.f32 v12;
	vm14 =	veq.f32 v1, $-1.000000000e+00  }
0x82: {  	v15 =	vld [tilespmem:$0x110];
	v14 =	vcvt.f32.s32 v13;
	vm15 =	veq.f32 v12, v13;
	v1 =	vsel vm14, v61, v1  }
0x83: {  	[tilespmem:$0x360] =	vst v1;
	v1 =	vsel vm15, $0xFFFFFFFF, v0  }
0x84: {  	v2 =	vld.idx.msk [tilespmem:v2+s6+$0x0], $0xffff;
	v1 =	vadd.s32 v14, v1  }
0x85: {  	vm4 =	vgt.s32 v1, $0x0  }
0x86: {  	v1 =	vnsel vm4, $0x0, v1  }
0x87: {  	v16 =	vmul.f32 $1.500000000e+01, v15;
	v1 =	vmin.u32 v1, $0xE;
	_ =	sdelay $0x1  }
0x88: {  	v17 =	vtrunc.f32 v16;
	vm5 =	veq.f32 v2, $-1.000000000e+00  }
0x89: {  	v19 =	vld [tilespmem:$0x120];
	v18 =	vcvt.f32.s32 v17;
	vm6 =	veq.f32 v16, v17;
	v2 =	vsel vm5, v9, v2  }
0x8a: {  	[tilespmem:$0x370] =	vst v2;
	v2 =	vsel vm6, $0xFFFFFFFF, v0  }
0x8b: {  	v1 =	vld.idx.msk [tilespmem:v1+s6+$0x0], $0xffff;
	v2 =	vadd.s32 v18, v2  }
0x8c: {  	vm7 =	vgt.s32 v2, $0x0  }
0x8d: {  	v2 =	vnsel vm7, $0x0, v2  }
0x8e: {  	v20 =	vmul.f32 $1.500000000e+01, v19;
	v2 =	vmin.u32 v2, $0xE;
	_ =	sdelay $0x1  }
0x8f: {  	v21 =	vtrunc.f32 v20;
	vm8 =	veq.f32 v1, $-1.000000000e+00  }
0x90: {  	v22 =	vld [tilespmem:$0x130];
	vm9 =	veq.f32 v20, v21;
	v1 =	vsel vm8, v3, v1;
	v3 =	vcvt.f32.s32 v21  }
0x91: {  	[tilespmem:$0x380] =	vst v1;
	v1 =	vsel vm9, $0xFFFFFFFF, v0  }
0x92: {  	v2 =	vld.idx.msk [tilespmem:v2+s6+$0x0], $0xffff;
	v1 =	vadd.s32 v3, v1  }
0x93: {  	vm10 =	vgt.s32 v1, $0x0  }
0x94: {  	v1 =	vnsel vm10, $0x0, v1  }
0x95: {  	v3 =	vmul.f32 $1.500000000e+01, v22;
	v1 =	vmin.u32 v1, $0xE;
	_ =	sdelay $0x1  }
0x96: {  	v23 =	vtrunc.f32 v3;
	vm11 =	veq.f32 v2, $-1.000000000e+00  }
0x97: {  	v24 =	vcvt.f32.s32 v23;
	vm12 =	veq.f32 v3, v23;
	v3 =	vld [tilespmem:$0x140];
	v2 =	vsel vm11, v15, v2  }
0x98: {  	[tilespmem:$0x390] =	vst v2;
	v2 =	vsel vm12, $0xFFFFFFFF, v0  }
0x99: {  	v1 =	vld.idx.msk [tilespmem:v1+s6+$0x0], $0xffff;
	v2 =	vadd.s32 v24, v2  }
0x9a: {  	vm13 =	vgt.s32 v2, $0x0  }
0x9b: {  	v2 =	vnsel vm13, $0x0, v2  }
0x9c: {  	v25 =	vmul.f32 $1.500000000e+01, v3;
	v2 =	vmin.u32 v2, $0xE;
	_ =	sdelay $0x1  }
0x9d: {  	v26 =	vtrunc.f32 v25;
	vm14 =	veq.f32 v1, $-1.000000000e+00  }
0x9e: {  	v28 =	vld [tilespmem:$0x150];
	v27 =	vcvt.f32.s32 v26;
	vm15 =	veq.f32 v25, v26;
	v1 =	vsel vm14, v19, v1  }
0x9f: {  	[tilespmem:$0x3A0] =	vst v1;
	v1 =	vsel vm15, $0xFFFFFFFF, v0  }
0xa0: {  	v2 =	vld.idx.msk [tilespmem:v2+s6+$0x0], $0xffff;
	v1 =	vadd.s32 v27, v1  }
0xa1: {  	vm4 =	vgt.s32 v1, $0x0  }
0xa2: {  	v1 =	vnsel vm4, $0x0, v1  }
0xa3: {  	v29 =	vmul.f32 $1.500000000e+01, v28;
	v1 =	vmin.u32 v1, $0xE;
	_ =	sdelay $0x1  }
0xa4: {  	v30 =	vtrunc.f32 v29;
	vm5 =	veq.f32 v2, $-1.000000000e+00  }
0xa5: {  	v32 =	vld [tilespmem:$0x160];
	v31 =	vcvt.f32.s32 v30;
	vm6 =	veq.f32 v29, v30;
	v2 =	vsel vm5, v22, v2  }
0xa6: {  	[tilespmem:$0x3B0] =	vst v2;
	v2 =	vsel vm6, $0xFFFFFFFF, v0  }
0xa7: {  	v1 =	vld.idx.msk [tilespmem:v1+s6+$0x0], $0xffff;
	v2 =	vadd.s32 v31, v2  }
0xa8: {  	vm7 =	vgt.s32 v2, $0x0  }
0xa9: {  	v2 =	vnsel vm7, $0x0, v2  }
0xaa: {  	v33 =	vmul.f32 $1.500000000e+01, v32;
	v2 =	vmin.u32 v2, $0xE;
	_ =	sdelay $0x1  }
0xab: {  	v34 =	vtrunc.f32 v33;
	vm8 =	veq.f32 v1, $-1.000000000e+00  }
0xac: {  	v35 =	vld [tilespmem:$0x170];
	vm9 =	veq.f32 v33, v34;
	v1 =	vsel vm8, v3, v1;
	v3 =	vcvt.f32.s32 v34  }
0xad: {  	[tilespmem:$0x3C0] =	vst v1;
	v1 =	vsel vm9, $0xFFFFFFFF, v0  }
0xae: {  	v2 =	vld.idx.msk [tilespmem:v2+s6+$0x0], $0xffff;
	v1 =	vadd.s32 v3, v1  }
0xaf: {  	vm10 =	vgt.s32 v1, $0x0  }
0xb0: {  	v1 =	vnsel vm10, $0x0, v1  }
0xb1: {  	v3 =	vmul.f32 $1.500000000e+01, v35;
	v1 =	vmin.u32 v1, $0xE;
	_ =	sdelay $0x1  }
0xb2: {  	v36 =	vtrunc.f32 v3;
	vm11 =	veq.f32 v2, $-1.000000000e+00  }
0xb3: {  	v37 =	vcvt.f32.s32 v36;
	vm12 =	veq.f32 v3, v36;
	v3 =	vld [tilespmem:$0x180];
	v2 =	vsel vm11, v28, v2  }
0xb4: {  	[tilespmem:$0x3D0] =	vst v2;
	v2 =	vsel vm12, $0xFFFFFFFF, v0  }
0xb5: {  	v1 =	vld.idx.msk [tilespmem:v1+s6+$0x0], $0xffff;
	v2 =	vadd.s32 v37, v2  }
0xb6: {  	vm13 =	vgt.s32 v2, $0x0  }
0xb7: {  	v2 =	vnsel vm13, $0x0, v2  }
0xb8: {  	v38 =	vmul.f32 $1.500000000e+01, v3;
	v2 =	vmin.u32 v2, $0xE;
	_ =	sdelay $0x1  }
0xb9: {  	v39 =	vtrunc.f32 v38;
	vm14 =	veq.f32 v1, $-1.000000000e+00  }
0xba: {  	v41 =	vld [tilespmem:$0x190];
	v40 =	vcvt.f32.s32 v39;
	vm15 =	veq.f32 v38, v39;
	v1 =	vsel vm14, v32, v1  }
0xbb: {  	[tilespmem:$0x3E0] =	vst v1;
	v1 =	vsel vm15, $0xFFFFFFFF, v0  }
0xbc: {  	v2 =	vld.idx.msk [tilespmem:v2+s6+$0x0], $0xffff;
	v1 =	vadd.s32 v40, v1  }
0xbd: {  	vm4 =	vgt.s32 v1, $0x0  }
0xbe: {  	v1 =	vnsel vm4, $0x0, v1  }
0xbf: {  	v42 =	vmul.f32 $1.500000000e+01, v41;
	v1 =	vmin.u32 v1, $0xE;
	_ =	sdelay $0x1  }
0xc0: {  	v43 =	vtrunc.f32 v42;
	vm5 =	veq.f32 v2, $-1.000000000e+00  }
0xc1: {  	v45 =	vld [tilespmem:$0x1A0];
	v44 =	vcvt.f32.s32 v43;
	vm6 =	veq.f32 v42, v43;
	v2 =	vsel vm5, v35, v2  }
0xc2: {  	[tilespmem:$0x3F0] =	vst v2;
	v2 =	vsel vm6, $0xFFFFFFFF, v0  }
0xc3: {  	v1 =	vld.idx.msk [tilespmem:v1+s6+$0x0], $0xffff;
	v2 =	vadd.s32 v44, v2  }
0xc4: {  	vm7 =	vgt.s32 v2, $0x0  }
0xc5: {  	v2 =	vnsel vm7, $0x0, v2  }
0xc6: {  	v46 =	vmul.f32 $1.500000000e+01, v45;
	v2 =	vmin.u32 v2, $0xE;
	_ =	sdelay $0x1  }
0xc7: {  	v47 =	vtrunc.f32 v46;
	vm8 =	veq.f32 v1, $-1.000000000e+00  }
0xc8: {  	v48 =	vld [tilespmem:$0x1B0];
	vm9 =	veq.f32 v46, v47;
	v1 =	vsel vm8, v3, v1;
	v3 =	vcvt.f32.s32 v47  }
0xc9: {  	[tilespmem:$0x400] =	vst v1;
	v1 =	vsel vm9, $0xFFFFFFFF, v0  }
0xca: {  	v2 =	vld.idx.msk [tilespmem:v2+s6+$0x0], $0xffff;
	v1 =	vadd.s32 v3, v1  }
0xcb: {  	vm10 =	vgt.s32 v1, $0x0  }
0xcc: {  	v1 =	vnsel vm10, $0x0, v1  }
0xcd: {  	v3 =	vmul.f32 $1.500000000e+01, v48;
	v1 =	vmin.u32 v1, $0xE;
	_ =	sdelay $0x1  }
0xce: {  	v49 =	vtrunc.f32 v3;
	vm11 =	veq.f32 v2, $-1.000000000e+00  }
0xcf: {  	v50 =	vcvt.f32.s32 v49;
	vm12 =	veq.f32 v3, v49;
	v3 =	vld [tilespmem:$0x1C0];
	v2 =	vsel vm11, v41, v2  }
0xd0: {  	[tilespmem:$0x410] =	vst v2;
	v2 =	vsel vm12, $0xFFFFFFFF, v0  }
0xd1: {  	v1 =	vld.idx.msk [tilespmem:v1+s6+$0x0], $0xffff;
	v2 =	vadd.s32 v50, v2  }
0xd2: {  	vm13 =	vgt.s32 v2, $0x0  }
0xd3: {  	v2 =	vnsel vm13, $0x0, v2  }
0xd4: {  	v51 =	vmul.f32 $1.500000000e+01, v3;
	v2 =	vmin.u32 v2, $0xE;
	_ =	sdelay $0x1  }
0xd5: {  	v52 =	vtrunc.f32 v51;
	vm14 =	veq.f32 v1, $-1.000000000e+00  }
0xd6: {  	v54 =	vld [tilespmem:$0x1D0];
	v53 =	vcvt.f32.s32 v52;
	vm15 =	veq.f32 v51, v52;
	v1 =	vsel vm14, v45, v1  }
0xd7: {  	[tilespmem:$0x420] =	vst v1;
	v1 =	vsel vm15, $0xFFFFFFFF, v0  }
0xd8: {  	v2 =	vld.idx.msk [tilespmem:v2+s6+$0x0], $0xffff;
	v1 =	vadd.s32 v53, v1  }
0xd9: {  	vm4 =	vgt.s32 v1, $0x0  }
0xda: {  	v1 =	vnsel vm4, $0x0, v1  }
0xdb: {  	v55 =	vmul.f32 $1.500000000e+01, v54;
	v1 =	vmin.u32 v1, $0xE;
	_ =	sdelay $0x1  }
0xdc: {  	v56 =	vtrunc.f32 v55;
	vm5 =	veq.f32 v2, $-1.000000000e+00  }
0xdd: {  	v58 =	vld [tilespmem:$0x1E0];
	v57 =	vcvt.f32.s32 v56;
	vm6 =	veq.f32 v55, v56;
	v2 =	vsel vm5, v48, v2  }
0xde: {  	[tilespmem:$0x430] =	vst v2;
	v2 =	vsel vm6, $0xFFFFFFFF, v0  }
0xdf: {  	v1 =	vld.idx.msk [tilespmem:v1+s6+$0x0], $0xffff;
	v2 =	vadd.s32 v57, v2  }
0xe0: {  	vm7 =	vgt.s32 v2, $0x0  }
0xe1: {  	v2 =	vnsel vm7, $0x0, v2  }
0xe2: {  	v59 =	vmul.f32 $1.500000000e+01, v58;
	v2 =	vmin.u32 v2, $0xE;
	_ =	sdelay $0x1  }
0xe3: {  	v60 =	vtrunc.f32 v59;
	vm8 =	veq.f32 v1, $-1.000000000e+00  }
0xe4: {  	v61 =	vld [tilespmem:$0x1F0];
	vm9 =	veq.f32 v59, v60;
	v1 =	vsel vm8, v3, v1;
	v3 =	vcvt.f32.s32 v60  }
0xe5: {  	[tilespmem:$0x440] =	vst v1;
	v1 =	vsel vm9, $0xFFFFFFFF, v0  }
0xe6: {  	v2 =	vld.idx.msk [tilespmem:v2+s6+$0x0], $0xffff;
	v1 =	vadd.s32 v3, v1  }
0xe7: {  	vm10 =	vgt.s32 v1, $0x0  }
0xe8: {  	v1 =	vnsel vm10, $0x0, v1  }
0xe9: {  	v3 =	vmul.f32 $1.500000000e+01, v61;
	v1 =	vmin.u32 v1, $0xE;
	_ =	sdelay $0x1  }
0xea: {  	v62 =	vtrunc.f32 v3;
	vm11 =	veq.f32 v2, $-1.000000000e+00  }
0xeb: {  	v63 =	vcvt.f32.s32 v62;
	vm12 =	veq.f32 v3, v62;
	v2 =	vsel vm11, v54, v2  }
0xec: {  	[tilespmem:$0x450] =	vst v2;
	v2 =	vsel vm12, $0xFFFFFFFF, v0  }
0xed: {  	v1 =	vld.idx.msk [tilespmem:v1+s6+$0x0], $0xffff;
	v2 =	vadd.s32 v63, v2  }
0xee: {  	vm13 =	vgt.s32 v2, $0x0  }
0xef: {  	v2 =	vnsel vm13, $0x0, v2  }
0xf0: {  	v2 =	vmin.u32 v2, $0xE;
	_ =	sdelay $0x1  }
0xf1: {  	vm14 =	veq.f32 v1, $-1.000000000e+00  }
0xf2: {  	v1 =	vsel vm14, v58, v1  }
0xf3: {  	[tilespmem:$0x460] =	vst v1  }
0xf4: {  	v1 =	vld.idx.msk [tilespmem:v2+s6+$0x0], $0xffff  }
0xf5: {  	s8 =	ssub.s32 $0x2, s8  }
0xf6: {  	s10 =	sshrl.u32 s8, $0x1  }
0xf7: {  	s8 =	ssub.s32 s8, s10  }
0xf8: {  	s31 =	smax.u32 s8, $0x1  }
0xf9: {  	p0 =	sne.s32 s31, $0x1;
	vm15 =	veq.f32 v1, $-1.000000000e+00  }
.Ltmp0:
0xfa: {  	s7 =	sadd.s32 s9, s7;
	v1 =	vsel vm15, v61, v1;
	(pc) =	sbr.rel @!p0 .LBB2_2-.Ltmp0, $4  }
0xfb: {  	s7 =	sadd.s32 $0x800, s7;
	s8 =	simm.s32 $0x280;
	[tilespmem:$0x470] =	vst v1  }
0xfc: {  	[hbm4b:s7+s2] =	stream.linear.scatter [tilespmem:s8], [sflag:$0x1], $0x200, $0x38;
	[tilespmem:$0x480] =	vst v63  }
0xfd: {  	_ =	swait.ge [sflag:s3], $0x200  }
0xfe: {  	s9 =	sadd.s32 $0xFFFFFFFF, s31;
	[sflag:s3] =	ssyncset.done $0x0  }
.LBB2_1:
0xff: {  	p0 =	sne.s32 s9, $0x1;
	s9 =	sadd.s32 $0xFFFFFFFF, s9;
	[sflag:s3] =	ssyncadd.s32 $0xFFFFFE00  }
0x100: {  	[tilespmem:s2], [sflag:$0x1] =	stream.linear.gather [hbm4b:s4+s2], $0x200, $0x38;
	[tilespmem:$0x480] =	vst v63  }
0x101: {  	_ =	swait.ge [sflag:s3], $0x200  }
0x102: {  	[sflag:s3] =	ssyncset.done $0x0  }
0x103: {  	[sflag:s3] =	ssyncadd.s32 $0xFFFFFE00  }
0x104: {  	[tilespmem:s6], [sflag:$0x1] =	stream.linear.gather [hbm4b:s5+s2], $0x80, $0x38;
	[tilespmem:$0x480] =	vst v63  }
0x105: {  	_ =	swait.ge [sflag:s3], $0x80  }
0x106: {  	[sflag:s3] =	ssyncset.done $0x0  }
0x107: {  	[sflag:s3] =	ssyncadd.s32 $0xFFFFFF80  }
0x108: {  	v1 =	vld [tilespmem:$0x0];
	_ =	sdelay $0x4  }
0x109: {  	v2 =	vmul.f32 $1.500000000e+01, v1;
	_ =	sdelay $0x1  }
0x10a: {  	v3 =	vtrunc.f32 v2  }
0x10b: {  	v4 =	vcvt.f32.s32 v3;
	vm0 =	veq.f32 v2, v3  }
0x10c: {  	v2 =	vsel vm0, $0xFFFFFFFF, v0;
	v3 =	vld [tilespmem:$0x10]  }
0x10d: {  	v2 =	vadd.s32 v4, v2  }
0x10e: {  	vm0 =	vgt.s32 v2, $0x0  }
0x10f: {  	v2 =	vnsel vm0, $0x0, v2  }
0x110: {  	v2 =	vmin.u32 v2, $0xE  }
0x111: {  	v4 =	vmul.f32 $1.500000000e+01, v3;
	_ =	sdelay $0x1  }
0x112: {  	v5 =	vtrunc.f32 v4  }
0x113: {  	v6 =	vcvt.f32.s32 v5;
	vm0 =	veq.f32 v4, v5;
	v4 =	vld [tilespmem:$0x20]  }
0x114: {  	v2 =	vld.idx.msk [tilespmem:v2+s6+$0x0], $0xffff;
	v5 =	vsel vm0, $0xFFFFFFFF, v0  }
0x115: {  	v5 =	vadd.s32 v6, v5  }
0x116: {  	vm0 =	vgt.s32 v5, $0x0  }
0x117: {  	v5 =	vnsel vm0, $0x0, v5  }
0x118: {  	v5 =	vmin.u32 v5, $0xE;
	v6 =	vmul.f32 $1.500000000e+01, v4;
	_ =	sdelay $0x1  }
0x119: {  	vm0 =	veq.f32 v2, $-1.000000000e+00;
	v7 =	vtrunc.f32 v6  }
0x11a: {  	v1 =	vsel vm0, v1, v2;
	v2 =	vcvt.f32.s32 v7;
	vm0 =	veq.f32 v6, v7  }
0x11b: {  	[tilespmem:$0x280] =	vst v1;
	v1 =	vsel vm0, $0xFFFFFFFF, v0;
	v6 =	vld [tilespmem:$0x30]  }
0x11c: {  	v5 =	vld.idx.msk [tilespmem:v5+s6+$0x0], $0xffff;
	v1 =	vadd.s32 v2, v1  }
0x11d: {  	vm0 =	vgt.s32 v1, $0x0  }
0x11e: {  	v1 =	vnsel vm0, $0x0, v1;
	_ =	sdelay $0x1  }
0x11f: {  	v1 =	vmin.u32 v1, $0xE;
	v2 =	vmul.f32 $1.500000000e+01, v6;
	_ =	sdelay $0x1  }
0x120: {  	vm0 =	veq.f32 v5, $-1.000000000e+00;
	v7 =	vtrunc.f32 v2  }
0x121: {  	v3 =	vsel vm0, v3, v5;
	v5 =	vcvt.f32.s32 v7;
	vm0 =	veq.f32 v2, v7  }
0x122: {  	[tilespmem:$0x290] =	vst v3;
	v2 =	vsel vm0, $0xFFFFFFFF, v0;
	v3 =	vld [tilespmem:$0x40]  }
0x123: {  	v1 =	vld.idx.msk [tilespmem:v1+s6+$0x0], $0xffff;
	v2 =	vadd.s32 v5, v2  }
0x124: {  	vm0 =	vgt.s32 v2, $0x0  }
0x125: {  	v2 =	vnsel vm0, $0x0, v2;
	_ =	sdelay $0x1  }
0x126: {  	v2 =	vmin.u32 v2, $0xE;
	v5 =	vmul.f32 $1.500000000e+01, v3;
	_ =	sdelay $0x1  }
0x127: {  	vm0 =	veq.f32 v1, $-1.000000000e+00;
	v7 =	vtrunc.f32 v5  }
0x128: {  	v1 =	vsel vm0, v4, v1;
	v4 =	vcvt.f32.s32 v7;
	vm0 =	veq.f32 v5, v7  }
0x129: {  	[tilespmem:$0x2A0] =	vst v1;
	v1 =	vsel vm0, $0xFFFFFFFF, v0;
	v5 =	vld [tilespmem:$0x50]  }
0x12a: {  	v2 =	vld.idx.msk [tilespmem:v2+s6+$0x0], $0xffff;
	v1 =	vadd.s32 v4, v1  }
0x12b: {  	vm0 =	vgt.s32 v1, $0x0  }
0x12c: {  	v1 =	vnsel vm0, $0x0, v1;
	_ =	sdelay $0x1  }
0x12d: {  	v1 =	vmin.u32 v1, $0xE;
	v4 =	vmul.f32 $1.500000000e+01, v5;
	_ =	sdelay $0x1  }
0x12e: {  	vm0 =	veq.f32 v2, $-1.000000000e+00;
	v7 =	vtrunc.f32 v4  }
0x12f: {  	v2 =	vsel vm0, v6, v2;
	v6 =	vcvt.f32.s32 v7;
	vm0 =	veq.f32 v4, v7  }
0x130: {  	[tilespmem:$0x2B0] =	vst v2;
	v2 =	vsel vm0, $0xFFFFFFFF, v0;
	v4 =	vld [tilespmem:$0x60]  }
0x131: {  	v1 =	vld.idx.msk [tilespmem:v1+s6+$0x0], $0xffff;
	v2 =	vadd.s32 v6, v2  }
0x132: {  	vm0 =	vgt.s32 v2, $0x0  }
0x133: {  	v2 =	vnsel vm0, $0x0, v2;
	_ =	sdelay $0x1  }
0x134: {  	v2 =	vmin.u32 v2, $0xE;
	v6 =	vmul.f32 $1.500000000e+01, v4;
	_ =	sdelay $0x1  }
0x135: {  	vm0 =	veq.f32 v1, $-1.000000000e+00;
	v7 =	vtrunc.f32 v6  }
0x136: {  	v1 =	vsel vm0, v3, v1;
	v3 =	vcvt.f32.s32 v7;
	vm0 =	veq.f32 v6, v7  }
0x137: {  	[tilespmem:$0x2C0] =	vst v1;
	v1 =	vsel vm0, $0xFFFFFFFF, v0;
	v6 =	vld [tilespmem:$0x70]  }
0x138: {  	v2 =	vld.idx.msk [tilespmem:v2+s6+$0x0], $0xffff;
	v1 =	vadd.s32 v3, v1  }
0x139: {  	vm0 =	vgt.s32 v1, $0x0  }
0x13a: {  	v1 =	vnsel vm0, $0x0, v1;
	_ =	sdelay $0x1  }
0x13b: {  	v1 =	vmin.u32 v1, $0xE;
	v3 =	vmul.f32 $1.500000000e+01, v6;
	_ =	sdelay $0x1  }
0x13c: {  	vm0 =	veq.f32 v2, $-1.000000000e+00;
	v7 =	vtrunc.f32 v3  }
0x13d: {  	v2 =	vsel vm0, v5, v2;
	v5 =	vcvt.f32.s32 v7;
	vm0 =	veq.f32 v3, v7  }
0x13e: {  	[tilespmem:$0x2D0] =	vst v2;
	v2 =	vsel vm0, $0xFFFFFFFF, v0;
	v3 =	vld [tilespmem:$0x80]  }
0x13f: {  	v1 =	vld.idx.msk [tilespmem:v1+s6+$0x0], $0xffff;
	v2 =	vadd.s32 v5, v2  }
0x140: {  	vm0 =	vgt.s32 v2, $0x0  }
0x141: {  	v2 =	vnsel vm0, $0x0, v2;
	_ =	sdelay $0x1  }
0x142: {  	v2 =	vmin.u32 v2, $0xE;
	v5 =	vmul.f32 $1.500000000e+01, v3;
	_ =	sdelay $0x1  }
0x143: {  	vm0 =	veq.f32 v1, $-1.000000000e+00;
	v7 =	vtrunc.f32 v5  }
0x144: {  	v1 =	vsel vm0, v4, v1;
	v4 =	vcvt.f32.s32 v7;
	vm0 =	veq.f32 v5, v7  }
0x145: {  	[tilespmem:$0x2E0] =	vst v1;
	v1 =	vsel vm0, $0xFFFFFFFF, v0;
	v5 =	vld [tilespmem:$0x90]  }
0x146: {  	v2 =	vld.idx.msk [tilespmem:v2+s6+$0x0], $0xffff;
	v1 =	vadd.s32 v4, v1  }
0x147: {  	vm0 =	vgt.s32 v1, $0x0  }
0x148: {  	v1 =	vnsel vm0, $0x0, v1;
	_ =	sdelay $0x1  }
0x149: {  	v1 =	vmin.u32 v1, $0xE;
	v4 =	vmul.f32 $1.500000000e+01, v5;
	_ =	sdelay $0x1  }
0x14a: {  	vm0 =	veq.f32 v2, $-1.000000000e+00;
	v7 =	vtrunc.f32 v4  }
0x14b: {  	v2 =	vsel vm0, v6, v2;
	v6 =	vcvt.f32.s32 v7;
	vm0 =	veq.f32 v4, v7  }
0x14c: {  	[tilespmem:$0x2F0] =	vst v2;
	v2 =	vsel vm0, $0xFFFFFFFF, v0;
	v4 =	vld [tilespmem:$0xA0]  }
0x14d: {  	v1 =	vld.idx.msk [tilespmem:v1+s6+$0x0], $0xffff;
	v2 =	vadd.s32 v6, v2  }
0x14e: {  	vm0 =	vgt.s32 v2, $0x0  }
0x14f: {  	v2 =	vnsel vm0, $0x0, v2;
	_ =	sdelay $0x1  }
0x150: {  	v2 =	vmin.u32 v2, $0xE;
	v6 =	vmul.f32 $1.500000000e+01, v4;
	_ =	sdelay $0x1  }
0x151: {  	vm0 =	veq.f32 v1, $-1.000000000e+00;
	v7 =	vtrunc.f32 v6  }
0x152: {  	v1 =	vsel vm0, v3, v1;
	v3 =	vcvt.f32.s32 v7;
	vm0 =	veq.f32 v6, v7  }
0x153: {  	[tilespmem:$0x300] =	vst v1;
	v1 =	vsel vm0, $0xFFFFFFFF, v0;
	v6 =	vld [tilespmem:$0xB0]  }
0x154: {  	v2 =	vld.idx.msk [tilespmem:v2+s6+$0x0], $0xffff;
	v1 =	vadd.s32 v3, v1  }
0x155: {  	vm0 =	vgt.s32 v1, $0x0  }
0x156: {  	v1 =	vnsel vm0, $0x0, v1;
	_ =	sdelay $0x1  }
0x157: {  	v1 =	vmin.u32 v1, $0xE;
	v3 =	vmul.f32 $1.500000000e+01, v6;
	_ =	sdelay $0x1  }
0x158: {  	vm0 =	veq.f32 v2, $-1.000000000e+00;
	v7 =	vtrunc.f32 v3  }
0x159: {  	v2 =	vsel vm0, v5, v2;
	v5 =	vcvt.f32.s32 v7;
	vm0 =	veq.f32 v3, v7  }
0x15a: {  	[tilespmem:$0x310] =	vst v2;
	v2 =	vsel vm0, $0xFFFFFFFF, v0;
	v3 =	vld [tilespmem:$0xC0]  }
0x15b: {  	v1 =	vld.idx.msk [tilespmem:v1+s6+$0x0], $0xffff;
	v2 =	vadd.s32 v5, v2  }
0x15c: {  	vm0 =	vgt.s32 v2, $0x0  }
0x15d: {  	v2 =	vnsel vm0, $0x0, v2;
	_ =	sdelay $0x1  }
0x15e: {  	v2 =	vmin.u32 v2, $0xE;
	v5 =	vmul.f32 $1.500000000e+01, v3;
	_ =	sdelay $0x1  }
0x15f: {  	vm0 =	veq.f32 v1, $-1.000000000e+00;
	v7 =	vtrunc.f32 v5  }
0x160: {  	v1 =	vsel vm0, v4, v1;
	v4 =	vcvt.f32.s32 v7;
	vm0 =	veq.f32 v5, v7  }
0x161: {  	[tilespmem:$0x320] =	vst v1;
	v1 =	vsel vm0, $0xFFFFFFFF, v0;
	v5 =	vld [tilespmem:$0xD0]  }
0x162: {  	v2 =	vld.idx.msk [tilespmem:v2+s6+$0x0], $0xffff;
	v1 =	vadd.s32 v4, v1  }
0x163: {  	vm0 =	vgt.s32 v1, $0x0  }
0x164: {  	v1 =	vnsel vm0, $0x0, v1;
	_ =	sdelay $0x1  }
0x165: {  	v1 =	vmin.u32 v1, $0xE;
	v4 =	vmul.f32 $1.500000000e+01, v5;
	_ =	sdelay $0x1  }
0x166: {  	vm0 =	veq.f32 v2, $-1.000000000e+00;
	v7 =	vtrunc.f32 v4  }
0x167: {  	v2 =	vsel vm0, v6, v2;
	v6 =	vcvt.f32.s32 v7;
	vm0 =	veq.f32 v4, v7  }
0x168: {  	[tilespmem:$0x330] =	vst v2;
	v2 =	vsel vm0, $0xFFFFFFFF, v0;
	v4 =	vld [tilespmem:$0xE0]  }
0x169: {  	v1 =	vld.idx.msk [tilespmem:v1+s6+$0x0], $0xffff;
	v2 =	vadd.s32 v6, v2  }
0x16a: {  	vm0 =	vgt.s32 v2, $0x0  }
0x16b: {  	v2 =	vnsel vm0, $0x0, v2;
	_ =	sdelay $0x1  }
0x16c: {  	v2 =	vmin.u32 v2, $0xE;
	v6 =	vmul.f32 $1.500000000e+01, v4;
	_ =	sdelay $0x1  }
0x16d: {  	vm0 =	veq.f32 v1, $-1.000000000e+00;
	v7 =	vtrunc.f32 v6  }
0x16e: {  	v1 =	vsel vm0, v3, v1;
	v3 =	vcvt.f32.s32 v7;
	vm0 =	veq.f32 v6, v7  }
0x16f: {  	[tilespmem:$0x340] =	vst v1;
	v1 =	vsel vm0, $0xFFFFFFFF, v0;
	v6 =	vld [tilespmem:$0xF0]  }
0x170: {  	v2 =	vld.idx.msk [tilespmem:v2+s6+$0x0], $0xffff;
	v1 =	vadd.s32 v3, v1  }
0x171: {  	vm0 =	vgt.s32 v1, $0x0  }
0x172: {  	v1 =	vnsel vm0, $0x0, v1;
	_ =	sdelay $0x1  }
0x173: {  	v1 =	vmin.u32 v1, $0xE;
	v3 =	vmul.f32 $1.500000000e+01, v6;
	_ =	sdelay $0x1  }
0x174: {  	vm0 =	veq.f32 v2, $-1.000000000e+00;
	v7 =	vtrunc.f32 v3  }
0x175: {  	v2 =	vsel vm0, v5, v2;
	v5 =	vcvt.f32.s32 v7;
	vm0 =	veq.f32 v3, v7  }
0x176: {  	[tilespmem:$0x350] =	vst v2;
	v2 =	vsel vm0, $0xFFFFFFFF, v0;
	v3 =	vld [tilespmem:$0x100]  }
0x177: {  	v1 =	vld.idx.msk [tilespmem:v1+s6+$0x0], $0xffff;
	v2 =	vadd.s32 v5, v2  }
0x178: {  	vm0 =	vgt.s32 v2, $0x0  }
0x179: {  	v2 =	vnsel vm0, $0x0, v2;
	_ =	sdelay $0x1  }
0x17a: {  	v2 =	vmin.u32 v2, $0xE;
	v5 =	vmul.f32 $1.500000000e+01, v3;
	_ =	sdelay $0x1  }
0x17b: {  	vm0 =	veq.f32 v1, $-1.000000000e+00;
	v7 =	vtrunc.f32 v5  }
0x17c: {  	v1 =	vsel vm0, v4, v1;
	v4 =	vcvt.f32.s32 v7;
	vm0 =	veq.f32 v5, v7  }
0x17d: {  	[tilespmem:$0x360] =	vst v1;
	v1 =	vsel vm0, $0xFFFFFFFF, v0;
	v5 =	vld [tilespmem:$0x110]  }
0x17e: {  	v2 =	vld.idx.msk [tilespmem:v2+s6+$0x0], $0xffff;
	v1 =	vadd.s32 v4, v1  }
0x17f: {  	vm0 =	vgt.s32 v1, $0x0  }
0x180: {  	v1 =	vnsel vm0, $0x0, v1;
	_ =	sdelay $0x1  }
0x181: {  	v1 =	vmin.u32 v1, $0xE;
	v4 =	vmul.f32 $1.500000000e+01, v5;
	_ =	sdelay $0x1  }
0x182: {  	vm0 =	veq.f32 v2, $-1.000000000e+00;
	v7 =	vtrunc.f32 v4  }
0x183: {  	v2 =	vsel vm0, v6, v2;
	v6 =	vcvt.f32.s32 v7;
	vm0 =	veq.f32 v4, v7  }
0x184: {  	[tilespmem:$0x370] =	vst v2;
	v2 =	vsel vm0, $0xFFFFFFFF, v0;
	v4 =	vld [tilespmem:$0x120]  }
0x185: {  	v1 =	vld.idx.msk [tilespmem:v1+s6+$0x0], $0xffff;
	v2 =	vadd.s32 v6, v2  }
0x186: {  	vm0 =	vgt.s32 v2, $0x0  }
0x187: {  	v2 =	vnsel vm0, $0x0, v2;
	_ =	sdelay $0x1  }
0x188: {  	v2 =	vmin.u32 v2, $0xE;
	v6 =	vmul.f32 $1.500000000e+01, v4;
	_ =	sdelay $0x1  }
0x189: {  	vm0 =	veq.f32 v1, $-1.000000000e+00;
	v7 =	vtrunc.f32 v6  }
0x18a: {  	v1 =	vsel vm0, v3, v1;
	v3 =	vcvt.f32.s32 v7;
	vm0 =	veq.f32 v6, v7  }
0x18b: {  	[tilespmem:$0x380] =	vst v1;
	v1 =	vsel vm0, $0xFFFFFFFF, v0;
	v6 =	vld [tilespmem:$0x130]  }
0x18c: {  	v2 =	vld.idx.msk [tilespmem:v2+s6+$0x0], $0xffff;
	v1 =	vadd.s32 v3, v1  }
0x18d: {  	vm0 =	vgt.s32 v1, $0x0  }
0x18e: {  	v1 =	vnsel vm0, $0x0, v1;
	_ =	sdelay $0x1  }
0x18f: {  	v1 =	vmin.u32 v1, $0xE;
	v3 =	vmul.f32 $1.500000000e+01, v6;
	_ =	sdelay $0x1  }
0x190: {  	vm0 =	veq.f32 v2, $-1.000000000e+00;
	v7 =	vtrunc.f32 v3  }
0x191: {  	v2 =	vsel vm0, v5, v2;
	v5 =	vcvt.f32.s32 v7;
	vm0 =	veq.f32 v3, v7  }
0x192: {  	[tilespmem:$0x390] =	vst v2;
	v2 =	vsel vm0, $0xFFFFFFFF, v0;
	v3 =	vld [tilespmem:$0x140]  }
0x193: {  	v1 =	vld.idx.msk [tilespmem:v1+s6+$0x0], $0xffff;
	v2 =	vadd.s32 v5, v2  }
0x194: {  	vm0 =	vgt.s32 v2, $0x0  }
0x195: {  	v2 =	vnsel vm0, $0x0, v2;
	_ =	sdelay $0x1  }
0x196: {  	v2 =	vmin.u32 v2, $0xE;
	v5 =	vmul.f32 $1.500000000e+01, v3;
	_ =	sdelay $0x1  }
0x197: {  	vm0 =	veq.f32 v1, $-1.000000000e+00;
	v7 =	vtrunc.f32 v5  }
0x198: {  	v1 =	vsel vm0, v4, v1;
	v4 =	vcvt.f32.s32 v7;
	vm0 =	veq.f32 v5, v7  }
0x199: {  	[tilespmem:$0x3A0] =	vst v1;
	v1 =	vsel vm0, $0xFFFFFFFF, v0;
	v5 =	vld [tilespmem:$0x150]  }
0x19a: {  	v2 =	vld.idx.msk [tilespmem:v2+s6+$0x0], $0xffff;
	v1 =	vadd.s32 v4, v1  }
0x19b: {  	vm0 =	vgt.s32 v1, $0x0  }
0x19c: {  	v1 =	vnsel vm0, $0x0, v1;
	_ =	sdelay $0x1  }
0x19d: {  	v1 =	vmin.u32 v1, $0xE;
	v4 =	vmul.f32 $1.500000000e+01, v5;
	_ =	sdelay $0x1  }
0x19e: {  	vm0 =	veq.f32 v2, $-1.000000000e+00;
	v7 =	vtrunc.f32 v4  }
0x19f: {  	v2 =	vsel vm0, v6, v2;
	v6 =	vcvt.f32.s32 v7;
	vm0 =	veq.f32 v4, v7  }
0x1a0: {  	[tilespmem:$0x3B0] =	vst v2;
	v2 =	vsel vm0, $0xFFFFFFFF, v0;
	v4 =	vld [tilespmem:$0x160]  }
0x1a1: {  	v1 =	vld.idx.msk [tilespmem:v1+s6+$0x0], $0xffff;
	v2 =	vadd.s32 v6, v2  }
0x1a2: {  	vm0 =	vgt.s32 v2, $0x0  }
0x1a3: {  	v2 =	vnsel vm0, $0x0, v2;
	_ =	sdelay $0x1  }
0x1a4: {  	v2 =	vmin.u32 v2, $0xE;
	v6 =	vmul.f32 $1.500000000e+01, v4;
	_ =	sdelay $0x1  }
0x1a5: {  	vm0 =	veq.f32 v1, $-1.000000000e+00;
	v7 =	vtrunc.f32 v6  }
0x1a6: {  	v1 =	vsel vm0, v3, v1;
	v3 =	vcvt.f32.s32 v7;
	vm0 =	veq.f32 v6, v7  }
0x1a7: {  	[tilespmem:$0x3C0] =	vst v1;
	v1 =	vsel vm0, $0xFFFFFFFF, v0;
	v6 =	vld [tilespmem:$0x170]  }
0x1a8: {  	v2 =	vld.idx.msk [tilespmem:v2+s6+$0x0], $0xffff;
	v1 =	vadd.s32 v3, v1  }
0x1a9: {  	vm0 =	vgt.s32 v1, $0x0  }
0x1aa: {  	v1 =	vnsel vm0, $0x0, v1;
	_ =	sdelay $0x1  }
0x1ab: {  	v1 =	vmin.u32 v1, $0xE;
	v3 =	vmul.f32 $1.500000000e+01, v6;
	_ =	sdelay $0x1  }
0x1ac: {  	vm0 =	veq.f32 v2, $-1.000000000e+00;
	v7 =	vtrunc.f32 v3  }
0x1ad: {  	v2 =	vsel vm0, v5, v2;
	v5 =	vcvt.f32.s32 v7;
	vm0 =	veq.f32 v3, v7  }
0x1ae: {  	[tilespmem:$0x3D0] =	vst v2;
	v2 =	vsel vm0, $0xFFFFFFFF, v0;
	v3 =	vld [tilespmem:$0x180]  }
0x1af: {  	v1 =	vld.idx.msk [tilespmem:v1+s6+$0x0], $0xffff;
	v2 =	vadd.s32 v5, v2  }
0x1b0: {  	vm0 =	vgt.s32 v2, $0x0  }
0x1b1: {  	v2 =	vnsel vm0, $0x0, v2;
	_ =	sdelay $0x1  }
0x1b2: {  	v2 =	vmin.u32 v2, $0xE;
	v5 =	vmul.f32 $1.500000000e+01, v3;
	_ =	sdelay $0x1  }
0x1b3: {  	vm0 =	veq.f32 v1, $-1.000000000e+00;
	v7 =	vtrunc.f32 v5  }
0x1b4: {  	v1 =	vsel vm0, v4, v1;
	v4 =	vcvt.f32.s32 v7;
	vm0 =	veq.f32 v5, v7  }
0x1b5: {  	[tilespmem:$0x3E0] =	vst v1;
	v1 =	vsel vm0, $0xFFFFFFFF, v0;
	v5 =	vld [tilespmem:$0x190]  }
0x1b6: {  	v2 =	vld.idx.msk [tilespmem:v2+s6+$0x0], $0xffff;
	v1 =	vadd.s32 v4, v1  }
0x1b7: {  	vm0 =	vgt.s32 v1, $0x0  }
0x1b8: {  	v1 =	vnsel vm0, $0x0, v1;
	_ =	sdelay $0x1  }
0x1b9: {  	v1 =	vmin.u32 v1, $0xE;
	v4 =	vmul.f32 $1.500000000e+01, v5;
	_ =	sdelay $0x1  }
0x1ba: {  	vm0 =	veq.f32 v2, $-1.000000000e+00;
	v7 =	vtrunc.f32 v4  }
0x1bb: {  	v2 =	vsel vm0, v6, v2;
	v6 =	vcvt.f32.s32 v7;
	vm0 =	veq.f32 v4, v7  }
0x1bc: {  	[tilespmem:$0x3F0] =	vst v2;
	v2 =	vsel vm0, $0xFFFFFFFF, v0;
	v4 =	vld [tilespmem:$0x1A0]  }
0x1bd: {  	v1 =	vld.idx.msk [tilespmem:v1+s6+$0x0], $0xffff;
	v2 =	vadd.s32 v6, v2  }
0x1be: {  	vm0 =	vgt.s32 v2, $0x0  }
0x1bf: {  	v2 =	vnsel vm0, $0x0, v2;
	_ =	sdelay $0x1  }
0x1c0: {  	v2 =	vmin.u32 v2, $0xE;
	v6 =	vmul.f32 $1.500000000e+01, v4;
	_ =	sdelay $0x1  }
0x1c1: {  	vm0 =	veq.f32 v1, $-1.000000000e+00;
	v7 =	vtrunc.f32 v6  }
0x1c2: {  	v1 =	vsel vm0, v3, v1;
	v3 =	vcvt.f32.s32 v7;
	vm0 =	veq.f32 v6, v7  }
0x1c3: {  	[tilespmem:$0x400] =	vst v1;
	v1 =	vsel vm0, $0xFFFFFFFF, v0;
	v6 =	vld [tilespmem:$0x1B0]  }
0x1c4: {  	v2 =	vld.idx.msk [tilespmem:v2+s6+$0x0], $0xffff;
	v1 =	vadd.s32 v3, v1  }
0x1c5: {  	vm0 =	vgt.s32 v1, $0x0  }
0x1c6: {  	v1 =	vnsel vm0, $0x0, v1;
	_ =	sdelay $0x1  }
0x1c7: {  	v1 =	vmin.u32 v1, $0xE;
	v3 =	vmul.f32 $1.500000000e+01, v6;
	_ =	sdelay $0x1  }
0x1c8: {  	vm0 =	veq.f32 v2, $-1.000000000e+00;
	v7 =	vtrunc.f32 v3  }
0x1c9: {  	v2 =	vsel vm0, v5, v2;
	v5 =	vcvt.f32.s32 v7;
	vm0 =	veq.f32 v3, v7  }
0x1ca: {  	[tilespmem:$0x410] =	vst v2;
	v2 =	vsel vm0, $0xFFFFFFFF, v0;
	v3 =	vld [tilespmem:$0x1C0]  }
0x1cb: {  	v1 =	vld.idx.msk [tilespmem:v1+s6+$0x0], $0xffff;
	v2 =	vadd.s32 v5, v2  }
0x1cc: {  	vm0 =	vgt.s32 v2, $0x0  }
0x1cd: {  	v2 =	vnsel vm0, $0x0, v2;
	_ =	sdelay $0x1  }
0x1ce: {  	v2 =	vmin.u32 v2, $0xE;
	v5 =	vmul.f32 $1.500000000e+01, v3;
	_ =	sdelay $0x1  }
0x1cf: {  	vm0 =	veq.f32 v1, $-1.000000000e+00;
	v7 =	vtrunc.f32 v5  }
0x1d0: {  	v1 =	vsel vm0, v4, v1;
	v4 =	vcvt.f32.s32 v7;
	vm0 =	veq.f32 v5, v7  }
0x1d1: {  	[tilespmem:$0x420] =	vst v1;
	v1 =	vsel vm0, $0xFFFFFFFF, v0;
	v5 =	vld [tilespmem:$0x1D0]  }
0x1d2: {  	v2 =	vld.idx.msk [tilespmem:v2+s6+$0x0], $0xffff;
	v1 =	vadd.s32 v4, v1  }
0x1d3: {  	vm0 =	vgt.s32 v1, $0x0  }
0x1d4: {  	v1 =	vnsel vm0, $0x0, v1;
	_ =	sdelay $0x1  }
0x1d5: {  	v1 =	vmin.u32 v1, $0xE;
	v4 =	vmul.f32 $1.500000000e+01, v5;
	_ =	sdelay $0x1  }
0x1d6: {  	vm0 =	veq.f32 v2, $-1.000000000e+00;
	v7 =	vtrunc.f32 v4  }
0x1d7: {  	v2 =	vsel vm0, v6, v2;
	v6 =	vcvt.f32.s32 v7;
	vm0 =	veq.f32 v4, v7  }
0x1d8: {  	[tilespmem:$0x430] =	vst v2;
	v2 =	vsel vm0, $0xFFFFFFFF, v0;
	v4 =	vld [tilespmem:$0x1E0]  }
0x1d9: {  	v1 =	vld.idx.msk [tilespmem:v1+s6+$0x0], $0xffff;
	v2 =	vadd.s32 v6, v2  }
0x1da: {  	vm0 =	vgt.s32 v2, $0x0  }
0x1db: {  	v2 =	vnsel vm0, $0x0, v2;
	_ =	sdelay $0x1  }
0x1dc: {  	v2 =	vmin.u32 v2, $0xE;
	v6 =	vmul.f32 $1.500000000e+01, v4;
	_ =	sdelay $0x1  }
0x1dd: {  	vm0 =	veq.f32 v1, $-1.000000000e+00;
	v7 =	vtrunc.f32 v6  }
0x1de: {  	v1 =	vsel vm0, v3, v1;
	v3 =	vcvt.f32.s32 v7;
	vm0 =	veq.f32 v6, v7  }
0x1df: {  	[tilespmem:$0x440] =	vst v1;
	v1 =	vsel vm0, $0xFFFFFFFF, v0;
	v6 =	vld [tilespmem:$0x1F0]  }
0x1e0: {  	v2 =	vld.idx.msk [tilespmem:v2+s6+$0x0], $0xffff;
	v1 =	vadd.s32 v3, v1  }
0x1e1: {  	vm0 =	vgt.s32 v1, $0x0  }
0x1e2: {  	v1 =	vnsel vm0, $0x0, v1;
	_ =	sdelay $0x1  }
0x1e3: {  	v1 =	vmin.u32 v1, $0xE;
	v3 =	vmul.f32 $1.500000000e+01, v6;
	_ =	sdelay $0x1  }
0x1e4: {  	vm0 =	veq.f32 v2, $-1.000000000e+00;
	v7 =	vtrunc.f32 v3  }
0x1e5: {  	v2 =	vsel vm0, v5, v2;
	v5 =	vcvt.f32.s32 v7;
	vm0 =	veq.f32 v3, v7  }
0x1e6: {  	[tilespmem:$0x450] =	vst v2;
	v2 =	vsel vm0, $0xFFFFFFFF, v0  }
0x1e7: {  	v1 =	vld.idx.msk [tilespmem:v1+s6+$0x0], $0xffff;
	v2 =	vadd.s32 v5, v2  }
0x1e8: {  	vm0 =	vgt.s32 v2, $0x0  }
0x1e9: {  	v2 =	vnsel vm0, $0x0, v2;
	_ =	sdelay $0x1  }
0x1ea: {  	v2 =	vmin.u32 v2, $0xE;
	_ =	sdelay $0x1  }
0x1eb: {  	vm0 =	veq.f32 v1, $-1.000000000e+00  }
0x1ec: {  	v1 =	vsel vm0, v4, v1  }
0x1ed: {  	[tilespmem:$0x460] =	vst v1  }
0x1ee: {  	v1 =	vld.idx.msk [tilespmem:v2+s6+$0x0], $0xffff;
	_ =	sdelay $0x5  }
0x1ef: {  	vm0 =	veq.f32 v1, $-1.000000000e+00  }
.Ltmp1:
0x1f0: {  	v1 =	vsel vm0, v6, v1;
	(pc) =	sbr.rel @p0 .LBB2_1-.Ltmp1, $4  }
0x1f1: {  	[tilespmem:$0x470] =	vst v1  }
0x1f2: {  	[hbm4b:s7+s2] =	stream.linear.scatter [tilespmem:s8], [sflag:$0x1], $0x200, $0x38;
	[tilespmem:$0x480] =	vst v63  }
0x1f3: {  	_ =	swait.ge [sflag:s3], $0x200  }
0x1f4: {  	[sflag:s3] =	ssyncset.done $0x0  }
.LBB2_2:
0x1f5: {  	[sflag:s3] =	ssyncadd.s32 $0xFFFFFE00  }
0x1f6: {  	_ =	sfence.sel $0x180000  }
0x1f7: {  	[bflag:$0x0] =	sbarrier.arrive $0xFFFF  }
0x1f8: {  	p0 =	sne.s32 s1, $0x0;
	_ =	strace $0x90000047  }
0x1f9: {  	s0 =	sadd.s32 @!p0 $0x100000, s0;
	[bflag:$0x2] =	sbarrier.arrive $0xFFFF  }
0x1fa: {  	[sflag:s0] =	ssyncadd.tile.s32 @!p0 $0x1;
	_ =	shalt  }
.Lfunc_end2:
_tile_overlayer_lowered:
.L_overlay_start_2:
0x1fb: {  	(tag) =	ssettag $0x2  }
0x1fc: {  	s0 =	rddreg [dreg:$0x0];
	s2 =	stileid.u32  }
0x1fd: {  	s1 =	rddreg [dreg:$0x1];
	p0 =	sne.s32 s2, $0x0  }
0x1fe: {  	s3 =	rddreg [dreg:$0x2];
	[bflag:$0x3] =	sbarrier.arrive $0xFFFF;
	s2 =	simm.s32 @!p0 $0x1C01  }
0x1ff: {  	[timem:s3], [sflag:s2] =	dma.local @!p0 [hbm:s0], s1  }
0x200: {  	s0 =	simm.s32 @!p0 $0x1  }
0x201: {  	_ =	swait.ge @!p0 [sflag:s0], s1  }
0x202: {  	s1 =	ssub.s32 @!p0 $0x0, s1;
	[sflag:s0] =	ssyncset.done @!p0 $0x0  }
0x203: {  	[sflag:s0] =	ssyncadd.s32 @!p0 s1  }
0x204: {  	[bflag:$0x3] =	sbarrier.arrive $0xFFFF  }
0x205: {  	_ =	shalt  }

</sc_bundles>
